<compile_context>
chip_gen: v7x
topology: tpu7x:2x2x1
jax: 0.10.2.dev20260603
libtpu: 0.0.44.dev20260713+nightly
codegen_flags: <defaults>
</compile_context>

<pallas_src>
import functools

import jax
import jax.numpy as jnp
from jax import lax
from jax.experimental import pallas as pl
from jax.experimental.pallas import tpu as pltpu
from jax.experimental.pallas import tpu_sc as plsc

_N1, _N2 = 20000, 4096
_E0, _E1 = 320000, 65536
_IN_C, _HID, _OUT_C = 128, 256, 47

_N1P = 20480
_STR0 = _N1P // 16
_C0 = 160
_E0P = _C0 * 16 * 128
_C0H = _C0 // 2
_C1 = 16
_STR1 = _N2 // 16

_mesh = plsc.VectorSubcoreMesh(core_axis_name="c", subcore_axis_name="s")
_sc_params = pltpu.CompilerParams(use_tc_tiling_on_sc=False)


@functools.partial(
    pl.kernel,
    out_type=[
        jax.ShapeDtypeStruct((2, _N1P, 16), jnp.float32),
        jax.ShapeDtypeStruct((2, _N2, 16), jnp.float32),
    ],
    mesh=_mesh,
    compiler_params=_sc_params,
    scratch_types=[
        pltpu.VMEM((_C0H, 128), jnp.int32),
        pltpu.VMEM((_C1, 128), jnp.int32),
        pltpu.VMEM((128, 16), jnp.float32),
        pltpu.VMEM_SHARED((_N1P, 16), jnp.float32),
        pltpu.VMEM_SHARED((_N2, 16), jnp.float32),
    ],
)
def _sc_counts(dst0c, dst1c, z0, z1, ones,
               cnt0_out, cnt1_out,
               d0, d1, ones_v, cnt0, cnt1):
    c = lax.axis_index("c")
    s = lax.axis_index("s")
    pltpu.sync_copy(z0, cnt0.at[pl.ds(s * _STR0, _STR0)])
    pltpu.sync_copy(z1, cnt1.at[pl.ds(s * _STR1, _STR1)])
    base0 = c * (_C0H * 16) + s * _C0H
    base1 = c * (_C1 * 16) + s * _C1
    pltpu.sync_copy(dst0c.at[pl.ds(base0, _C0H)], d0)
    pltpu.sync_copy(dst1c.at[pl.ds(base1, _C1)], d1)
    pltpu.sync_copy(ones, ones_v)
    plsc.subcore_barrier()

    def chunk0(j, carry):
        pltpu.sync_copy(ones_v, cnt0.at[d0.at[j]], add=True)
        return carry

    lax.fori_loop(0, _C0H, chunk0, 0)

    def chunk1(j, carry):
        pltpu.sync_copy(ones_v, cnt1.at[d1.at[j]], add=True)
        return carry

    lax.fori_loop(0, _C1, chunk1, 0)
    plsc.subcore_barrier()

    @pl.when(c == 0)
    def _():
        pltpu.sync_copy(cnt0.at[pl.ds(s * _STR0, _STR0)],
                        cnt0_out.at[0].at[pl.ds(s * _STR0, _STR0)])
        pltpu.sync_copy(cnt1.at[pl.ds(s * _STR1, _STR1)],
                        cnt1_out.at[0].at[pl.ds(s * _STR1, _STR1)])

    @pl.when(c == 1)
    def _():
        pltpu.sync_copy(cnt0.at[pl.ds(s * _STR0, _STR0)],
                        cnt0_out.at[1].at[pl.ds(s * _STR0, _STR0)])
        pltpu.sync_copy(cnt1.at[pl.ds(s * _STR1, _STR1)],
                        cnt1_out.at[1].at[pl.ds(s * _STR1, _STR1)])


@functools.partial(
    pl.kernel,
    out_type=jax.ShapeDtypeStruct((2, _N1P, 64), jnp.float32),
    mesh=_mesh,
    compiler_params=_sc_params,
    scratch_types=[
        pltpu.VMEM((_C0, 128), jnp.int32),
        pltpu.VMEM((_C0, 128), jnp.int32),
        pltpu.VMEM((128, 64), jnp.float32),
        pltpu.VMEM_SHARED((_N1P, 64), jnp.float32),
    ],
)
def _sc_l0(xlo, xhi, srcc, dstc, zacc,
           out_sum,
           sidx, didx, rows, acc):
    c = lax.axis_index("c")
    s = lax.axis_index("s")
    stripe = s * _STR0
    pltpu.sync_copy(zacc, acc.at[pl.ds(stripe, _STR0)])
    pltpu.sync_copy(srcc.at[pl.ds(s * _C0, _C0)], sidx)
    pltpu.sync_copy(dstc.at[pl.ds(s * _C0, _C0)], didx)
    plsc.subcore_barrier()

    def chunk(j, carry):
        @pl.when(c == 0)
        def _():
            pltpu.sync_copy(xlo.at[sidx.at[j]], rows)

        @pl.when(c == 1)
        def _():
            pltpu.sync_copy(xhi.at[sidx.at[j]], rows)

        pltpu.sync_copy(rows, acc.at[didx.at[j]], add=True)
        return carry

    lax.fori_loop(0, _C0, chunk, 0)
    plsc.subcore_barrier()

    @pl.when(c == 0)
    def _():
        pltpu.sync_copy(acc.at[pl.ds(stripe, _STR0)],
                        out_sum.at[0].at[pl.ds(stripe, _STR0)])

    @pl.when(c == 1)
    def _():
        pltpu.sync_copy(acc.at[pl.ds(stripe, _STR0)],
                        out_sum.at[1].at[pl.ds(stripe, _STR0)])


@functools.partial(
    pl.kernel,
    out_type=jax.ShapeDtypeStruct((2, _N2, _HID), jnp.float32),
    mesh=_mesh,
    compiler_params=_sc_params,
    scratch_types=[
        pltpu.VMEM((_C1, 128), jnp.int32),
        pltpu.VMEM((_C1, 128), jnp.int32),
        pltpu.VMEM((128, _HID), jnp.float32),
        pltpu.VMEM_SHARED((_N2, _HID), jnp.float32),
    ],
)
def _sc_l1(h, srcc, dstc, zacc,
           out_sum,
           sidx, didx, rows, acc):
    c = lax.axis_index("c")
    s = lax.axis_index("s")
    stripe = s * _STR1
    pltpu.sync_copy(zacc, acc.at[pl.ds(stripe, _STR1)])
    base = c * (_C1 * 16) + s * _C1
    pltpu.sync_copy(srcc.at[pl.ds(base, _C1)], sidx)
    pltpu.sync_copy(dstc.at[pl.ds(base, _C1)], didx)
    plsc.subcore_barrier()

    def chunk(j, carry):
        pltpu.sync_copy(h.at[sidx.at[j]], rows)
        pltpu.sync_copy(rows, acc.at[didx.at[j]], add=True)
        return carry

    lax.fori_loop(0, _C1, chunk, 0)
    plsc.subcore_barrier()

    @pl.when(c == 0)
    def _():
        pltpu.sync_copy(acc.at[pl.ds(stripe, _STR1)],
                        out_sum.at[0].at[pl.ds(stripe, _STR1)])

    @pl.when(c == 1)
    def _():
        pltpu.sync_copy(acc.at[pl.ds(stripe, _STR1)],
                        out_sum.at[1].at[pl.ds(stripe, _STR1)])


def _tc_l0_body(sum_ref, cnt_ref, xlo_ref, xhi_ref, wl_ref, wr_ref, b_ref,
                h_ref):
    cnt = cnt_ref[0, :, 0:1] + cnt_ref[1, :, 0:1]
    inv = 1.0 / jnp.maximum(cnt, 1.0)
    slo = sum_ref[0] * inv
    shi = sum_ref[1] * inv
    wl = wl_ref[:]
    wr = wr_ref[:]
    acc = jnp.dot(slo, wl[0:64], preferred_element_type=jnp.float32)
    acc = acc + jnp.dot(shi, wl[64:128], preferred_element_type=jnp.float32)
    acc = acc + jnp.dot(xlo_ref[:], wr[0:64], preferred_element_type=jnp.float32)
    acc = acc + jnp.dot(xhi_ref[:], wr[64:128], preferred_element_type=jnp.float32)
    h_ref[:] = jnp.maximum(acc + b_ref[0:1, :], 0.0)


_TC0_ROWS = 160

_tc_l0 = pl.pallas_call(
    _tc_l0_body,
    grid=(_N1 // _TC0_ROWS,),
    in_specs=[
        pl.BlockSpec((2, _TC0_ROWS, 64), lambda i: (0, i, 0)),
        pl.BlockSpec((2, _TC0_ROWS, 16), lambda i: (0, i, 0)),
        pl.BlockSpec((_TC0_ROWS, 64), lambda i: (i, 0)),
        pl.BlockSpec((_TC0_ROWS, 64), lambda i: (i, 0)),
        pl.BlockSpec((_IN_C, _HID), lambda i: (0, 0)),
        pl.BlockSpec((_IN_C, _HID), lambda i: (0, 0)),
        pl.BlockSpec((8, _HID), lambda i: (0, 0)),
    ],
    out_specs=pl.BlockSpec((_TC0_ROWS, _HID), lambda i: (i, 0)),
    out_shape=jax.ShapeDtypeStruct((_N1, _HID), jnp.float32),
)


def _tc_l1_body(sum_ref, cnt_ref, h_ref, wl_ref, wr_ref, b_ref,
                ls_ref, z_ref):
    s2 = sum_ref[0] + sum_ref[1]
    cnt = cnt_ref[0, :, 0:1] + cnt_ref[1, :, 0:1]
    mean = s2 / jnp.maximum(cnt, 1.0)
    z = jnp.dot(mean, wl_ref[:], preferred_element_type=jnp.float32)
    z = z + jnp.dot(h_ref[:], wr_ref[:], preferred_element_type=jnp.float32)
    z = z + b_ref[0:1, :]
    m = jnp.max(z, axis=1, keepdims=True)
    lse = jnp.log(jnp.sum(jnp.exp(z - m), axis=1, keepdims=True)) + m
    z_ref[:] = z
    ls_ref[:] = z - lse


_TC1_ROWS = 256

_tc_l1 = pl.pallas_call(
    _tc_l1_body,
    grid=(_N2 // _TC1_ROWS,),
    in_specs=[
        pl.BlockSpec((2, _TC1_ROWS, _HID), lambda i: (0, i, 0)),
        pl.BlockSpec((2, _TC1_ROWS, 16), lambda i: (0, i, 0)),
        pl.BlockSpec((_TC1_ROWS, _HID), lambda i: (i, 0)),
        pl.BlockSpec((_HID, _OUT_C), lambda i: (0, 0)),
        pl.BlockSpec((_HID, _OUT_C), lambda i: (0, 0)),
        pl.BlockSpec((8, _OUT_C), lambda i: (0, 0)),
    ],
    out_specs=[
        pl.BlockSpec((_TC1_ROWS, _OUT_C), lambda i: (i, 0)),
        pl.BlockSpec((_TC1_ROWS, _OUT_C), lambda i: (i, 0)),
    ],
    out_shape=[
        jax.ShapeDtypeStruct((_N2, _OUT_C), jnp.float32),
        jax.ShapeDtypeStruct((_N2, _OUT_C), jnp.float32),
    ],
)


def kernel(x, edge_index0, edge_index1, W_l0, W_r0, b0, W_l1, W_r1, b1):
    xp = jnp.concatenate(
        [x[:_N1], jnp.zeros((_N1P - _N1, _IN_C), jnp.float32)], axis=0)
    xlo = xp[:, :64]
    xhi = xp[:, 64:]

    npad = _E0P - _E0
    padv = _N1 + (jnp.arange(npad, dtype=jnp.int32) % (_N1P - _N1))
    src0 = jnp.concatenate([edge_index0[0], padv]).reshape(_C0 * 16, 128)
    dst0 = jnp.concatenate([edge_index0[1], padv]).reshape(_C0 * 16, 128)
    src1 = edge_index1[0].reshape(_E1 // 128, 128)
    dst1 = edge_index1[1].reshape(_E1 // 128, 128)

    ones16 = jnp.ones((128, 16), jnp.float32)
    z0c = jnp.zeros((_STR0, 16), jnp.float32)
    z1c = jnp.zeros((_STR1, 16), jnp.float32)
    z0a = jnp.zeros((_STR0, 64), jnp.float32)
    z1a = jnp.zeros((_STR1, _HID), jnp.float32)

    cnt0, cnt1 = _sc_counts(dst0, dst1, z0c, z1c, ones16)
    summed0 = _sc_l0(xlo, xhi, src0, dst0, z0a)

    b0r = jnp.tile(b0[None, :], (8, 1))
    h = _tc_l0(summed0, cnt0, xlo, xhi, W_l0, W_r0, b0r)

    summed1 = _sc_l1(h, src1, dst1, z1a)

    b1r = jnp.tile(b1[None, :], (8, 1))
    ls, z = _tc_l1(summed1, cnt1, h, W_l1, W_r1, b1r)
    return (ls, z, h)

# --- scband reference (transcript-rebuilt; emitter-appended) ---
"""Pipeline reference for scband-sage-50568944943116 (READ-ONLY COPY).

The authoritative reference and input builder live on the scoring server;
editing this copy changes nothing except your own understanding.
"""

import jax, jax.numpy as jnp
import numpy as np

N0, N1, N2 = 100000, 20000, 4096
E0, E1 = 320000, 65536
IN_C, HID, OUT_C = 128, 256, 47


def setup_inputs(seed: int = 0) -> dict:
    key = jax.random.key(seed)
    ks = jax.random.split(key, 9)
    x = jax.random.normal(ks[0], (N0, IN_C), dtype=jnp.float32)
    edge_index0 = jax.random.randint(ks[1], (2, E0), 0, N1, dtype=jnp.int32)
    edge_index1 = jax.random.randint(ks[2], (2, E1), 0, N2, dtype=jnp.int32)
    s = 1.0 / np.sqrt(IN_C)
    W_l0 = jax.random.uniform(ks[3], (IN_C, HID), jnp.float32, -s, s)
    W_r0 = jax.random.uniform(ks[4], (IN_C, HID), jnp.float32, -s, s)
    b0 = jnp.zeros((HID,), jnp.float32)
    s2 = 1.0 / np.sqrt(HID)
    W_l1 = jax.random.uniform(ks[5], (HID, OUT_C), jnp.float32, -s2, s2)
    W_r1 = jax.random.uniform(ks[6], (HID, OUT_C), jnp.float32, -s2, s2)
    b1 = jnp.zeros((OUT_C,), jnp.float32)
    return {"x": x, "edge_index0": edge_index0, "edge_index1": edge_index1,
            "W_l0": W_l0, "W_r0": W_r0, "b0": b0,
            "W_l1": W_l1, "W_r1": W_r1, "b1": b1}


def _sage_conv(x_src, x_dst, edge_index, W_l, W_r, b):
    # PyG SAGEConv with mean aggregation on a bipartite (x_src, x_dst) graph:
    # out = lin_l(mean_{j in N(i)} x_src[j]) + lin_r(x_dst[i])
    src = edge_index[0]
    dst = edge_index[1]
    n_dst = x_dst.shape[0]
    msgs = jnp.take(x_src, src, axis=0)
    summed = jax.ops.segment_sum(msgs, dst, num_segments=n_dst)
    cnt = jax.ops.segment_sum(jnp.ones((src.shape[0],), jnp.float32), dst, num_segments=n_dst)
    mean = summed / jnp.clip(cnt, 1.0)[:, None]
    return mean @ W_l + b + x_dst @ W_r


def reference(x, edge_index0, edge_index1, W_l0, W_r0, b0, W_l1, W_r1, b1):
    # Layer 0: adjs[0] = (edge_index0, _, size=(N0, N1))
    x_target = x[:N1]
    h = _sage_conv(x, x_target, edge_index0, W_l0, W_r0, b0)
    h = jax.nn.relu(h)
    # dropout(p=0.5) is identity in eval mode
    # Layer 1 (last): adjs[1] = (edge_index1, _, size=(N1, N2)); out = x before conv
    out = h
    x_target2 = h[:N2]
    z = _sage_conv(h, x_target2, edge_index1, W_l1, W_r1, b1)
    return (jax.nn.log_softmax(z, axis=-1), z, out)

if __name__ == "__main__":
    import jax
    _d = setup_inputs()
    print(jax.jit(kernel)(*tuple(_d.values())))

</pallas_src>

<mosaic_0001>
#map = affine_map<(d0, d1) -> (0, 0)>
#map1 = affine_map<(d0, d1) -> (0, 0, 0)>
module attributes {stable_mosaic.version = 14 : i64} {
  func.func @_sc_counts(%arg0: i32, %arg1: i32, %arg2: memref<2560x128xi32, #tpu.memory_space<hbm>>, %arg3: memref<512x128xi32, #tpu.memory_space<hbm>>, %arg4: memref<1280x16xf32, #tpu.memory_space<hbm>>, %arg5: memref<256x16xf32, #tpu.memory_space<hbm>>, %arg6: memref<128x16xf32, #tpu.memory_space<hbm>>, %arg7: memref<2x20480x16xf32, #tpu.memory_space<hbm>>, %arg8: memref<2x4096x16xf32, #tpu.memory_space<hbm>>, %arg9: memref<80x128xi32, #tpu.memory_space<vmem>>, %arg10: memref<16x128xi32, #tpu.memory_space<vmem>>, %arg11: memref<128x16xf32, #tpu.memory_space<vmem>>, %arg12: memref<20480x16xf32, #tpu.memory_space<vmem_shared>>, %arg13: memref<4096x16xf32, #tpu.memory_space<vmem_shared>>) attributes {dimension_semantics = [#tpu.dimension_semantics<core_parallel>, #tpu.dimension_semantics<subcore_parallel>], iteration_bounds = array<i64: 2, 16>, scalar_prefetch = 0 : i64, scratch_operands = 5 : i64, tpu.core_type = #tpu.core_type<sc_vector_subcore>, window_params = [{transform_indices = #map}, {transform_indices = #map}, {transform_indices = #map}, {transform_indices = #map}, {transform_indices = #map}, {transform_indices = #map1}, {transform_indices = #map1}]} {
    %mul3A = arith.constant 1280 : i32
    %mul3A_0 = arith.muli %arg1, %mul3A : i32
    "tpu.region"() ({
      %run_scoped3A = tpu.sem_alloc : memref<!tpu.dma_semaphore, #tpu.memory_space<semaphore_mem>>
      %dma_start3A = arith.constant 0 : i32
      %dma_start3A_31 = tpu.memref_slice %arg12[%mul3A_0, %dma_start3A] : memref<20480x16xf32, #tpu.memory_space<vmem_shared>> -> memref<1280x16xf32, #tpu.memory_space<vmem_shared>>
      tpu.enqueue_dma source(%arg4 : memref<1280x16xf32, #tpu.memory_space<hbm>>) target(%dma_start3A_31 : memref<1280x16xf32, #tpu.memory_space<vmem_shared>>) target_semaphore(%run_scoped3A : memref<!tpu.dma_semaphore, #tpu.memory_space<semaphore_mem>>)
      %dma_wait3A = arith.constant 0 : i32
      %dma_wait3A_32 = tpu.memref_slice %arg12[%mul3A_0, %dma_wait3A] : memref<20480x16xf32, #tpu.memory_space<vmem_shared>> -> memref<1280x16xf32, #tpu.memory_space<vmem_shared>>
      tpu.wait_dma2 semaphore(%run_scoped3A : memref<!tpu.dma_semaphore, #tpu.memory_space<semaphore_mem>>) src(%arg4 : memref<1280x16xf32, #tpu.memory_space<hbm>>) dst(%dma_wait3A_32 : memref<1280x16xf32, #tpu.memory_space<vmem_shared>>)
      tpu.yield
    }) : () -> ()
    %mul3A_1 = arith.constant 256 : i32
    %mul3A_2 = arith.muli %arg1, %mul3A_1 : i32
    "tpu.region"() ({
      %run_scoped3A = tpu.sem_alloc : memref<!tpu.dma_semaphore, #tpu.memory_space<semaphore_mem>>
      %dma_start3A = arith.constant 0 : i32
      %dma_start3A_31 = tpu.memref_slice %arg13[%mul3A_2, %dma_start3A] : memref<4096x16xf32, #tpu.memory_space<vmem_shared>> -> memref<256x16xf32, #tpu.memory_space<vmem_shared>>
      tpu.enqueue_dma source(%arg5 : memref<256x16xf32, #tpu.memory_space<hbm>>) target(%dma_start3A_31 : memref<256x16xf32, #tpu.memory_space<vmem_shared>>) target_semaphore(%run_scoped3A : memref<!tpu.dma_semaphore, #tpu.memory_space<semaphore_mem>>)
      %dma_wait3A = arith.constant 0 : i32
      %dma_wait3A_32 = tpu.memref_slice %arg13[%mul3A_2, %dma_wait3A] : memref<4096x16xf32, #tpu.memory_space<vmem_shared>> -> memref<256x16xf32, #tpu.memory_space<vmem_shared>>
      tpu.wait_dma2 semaphore(%run_scoped3A : memref<!tpu.dma_semaphore, #tpu.memory_space<semaphore_mem>>) src(%arg5 : memref<256x16xf32, #tpu.memory_space<hbm>>) dst(%dma_wait3A_32 : memref<256x16xf32, #tpu.memory_space<vmem_shared>>)
      tpu.yield
    }) : () -> ()
    %mul3A_3 = arith.constant 1280 : i32
    %mul3A_4 = arith.muli %arg0, %mul3A_3 : i32
    %mul3A_5 = arith.constant 80 : i32
    %mul3A_6 = arith.muli %arg1, %mul3A_5 : i32
    %add3A = arith.addi %mul3A_4, %mul3A_6 : i32
    %mul3A_7 = arith.constant 256 : i32
    %mul3A_8 = arith.muli %arg0, %mul3A_7 : i32
    %mul3A_9 = arith.constant 16 : i32
    %mul3A_10 = arith.muli %arg1, %mul3A_9 : i32
    %add3A_11 = arith.addi %mul3A_8, %mul3A_10 : i32
    "tpu.region"() ({
      %run_scoped3A = tpu.sem_alloc : memref<!tpu.dma_semaphore, #tpu.memory_space<semaphore_mem>>
      %dma_start3A = arith.constant 0 : i32
      %dma_start3A_31 = tpu.memref_slice %arg2[%add3A, %dma_start3A] : memref<2560x128xi32, #tpu.memory_space<hbm>> -> memref<80x128xi32, #tpu.memory_space<hbm>>
      %dma_start3A_32 = arith.constant 0 : i32
      %dma_start3A_33 = tpu.memref_slice %arg2[%add3A, %dma_start3A_32] : memref<2560x128xi32, #tpu.memory_space<hbm>> -> memref<80x128xi32, #tpu.memory_space<hbm>>
      tpu.enqueue_dma source(%dma_start3A_33 : memref<80x128xi32, #tpu.memory_space<hbm>>) target(%arg9 : memref<80x128xi32, #tpu.memory_space<vmem>>) target_semaphore(%run_scoped3A : memref<!tpu.dma_semaphore, #tpu.memory_space<semaphore_mem>>)
      %dma_wait3A = arith.constant 0 : i32
      %dma_wait3A_34 = tpu.memref_slice %arg2[%add3A, %dma_wait3A] : memref<2560x128xi32, #tpu.memory_space<hbm>> -> memref<80x128xi32, #tpu.memory_space<hbm>>
      %dma_wait3A_35 = arith.constant 0 : i32
      %dma_wait3A_36 = tpu.memref_slice %arg2[%add3A, %dma_wait3A_35] : memref<2560x128xi32, #tpu.memory_space<hbm>> -> memref<80x128xi32, #tpu.memory_space<hbm>>
      tpu.wait_dma2 semaphore(%run_scoped3A : memref<!tpu.dma_semaphore, #tpu.memory_space<semaphore_mem>>) src(%dma_wait3A_36 : memref<80x128xi32, #tpu.memory_space<hbm>>) dst(%arg9 : memref<80x128xi32, #tpu.memory_space<vmem>>)
      tpu.yield
    }) : () -> ()
    "tpu.region"() ({
      %run_scoped3A = tpu.sem_alloc : memref<!tpu.dma_semaphore, #tpu.memory_space<semaphore_mem>>
      %dma_start3A = arith.constant 0 : i32
      %dma_start3A_31 = tpu.memref_slice %arg3[%add3A_11, %dma_start3A] : memref<512x128xi32, #tpu.memory_space<hbm>> -> memref<16x128xi32, #tpu.memory_space<hbm>>
      %dma_start3A_32 = arith.constant 0 : i32
      %dma_start3A_33 = tpu.memref_slice %arg3[%add3A_11, %dma_start3A_32] : memref<512x128xi32, #tpu.memory_space<hbm>> -> memref<16x128xi32, #tpu.memory_space<hbm>>
      tpu.enqueue_dma source(%dma_start3A_33 : memref<16x128xi32, #tpu.memory_space<hbm>>) target(%arg10 : memref<16x128xi32, #tpu.memory_space<vmem>>) target_semaphore(%run_scoped3A : memref<!tpu.dma_semaphore, #tpu.memory_space<semaphore_mem>>)
      %dma_wait3A = arith.constant 0 : i32
      %dma_wait3A_34 = tpu.memref_slice %arg3[%add3A_11, %dma_wait3A] : memref<512x128xi32, #tpu.memory_space<hbm>> -> memref<16x128xi32, #tpu.memory_space<hbm>>
      %dma_wait3A_35 = arith.constant 0 : i32
      %dma_wait3A_36 = tpu.memref_slice %arg3[%add3A_11, %dma_wait3A_35] : memref<512x128xi32, #tpu.memory_space<hbm>> -> memref<16x128xi32, #tpu.memory_space<hbm>>
      tpu.wait_dma2 semaphore(%run_scoped3A : memref<!tpu.dma_semaphore, #tpu.memory_space<semaphore_mem>>) src(%dma_wait3A_36 : memref<16x128xi32, #tpu.memory_space<hbm>>) dst(%arg10 : memref<16x128xi32, #tpu.memory_space<vmem>>)
      tpu.yield
    }) : () -> ()
    "tpu.region"() ({
      %run_scoped3A = tpu.sem_alloc : memref<!tpu.dma_semaphore, #tpu.memory_space<semaphore_mem>>
      tpu.enqueue_dma source(%arg6 : memref<128x16xf32, #tpu.memory_space<hbm>>) target(%arg11 : memref<128x16xf32, #tpu.memory_space<vmem>>) target_semaphore(%run_scoped3A : memref<!tpu.dma_semaphore, #tpu.memory_space<semaphore_mem>>)
      tpu.wait_dma2 semaphore(%run_scoped3A : memref<!tpu.dma_semaphore, #tpu.memory_space<semaphore_mem>>) src(%arg6 : memref<128x16xf32, #tpu.memory_space<hbm>>) dst(%arg11 : memref<128x16xf32, #tpu.memory_space<vmem>>)
      tpu.yield
    }) : () -> ()
    %barrier3A = arith.constant 0 : index
    tpu.barrier barrier_id(%barrier3A)
    %scan3A = arith.constant 0 : i32
    %scan3A_12 = arith.constant 0 : i32
    %scan3A_13 = arith.constant 80 : i32
    %scan3A_14 = arith.addi %scan3A_12, %scan3A_13 : i32
    %scan3A_15 = arith.constant 1 : i32
    scf.for %scan3A_31 = %scan3A_12 to %scan3A_14 step %scan3A_15  : i32 {
      "tpu.region"() ({
        %run_scoped3A = tpu.sem_alloc : memref<!tpu.dma_semaphore, #tpu.memory_space<semaphore_mem>>
        %dma_start3A = arith.constant 0 : i32
        %dma_start3A_32 = tpu.memref_slice %arg9[%scan3A_31, %dma_start3A] : memref<80x128xi32, #tpu.memory_space<vmem>> -> memref<1x128xi32, #tpu.memory_space<vmem>>
        %dma_start3A_33 = tpu.memref_squeeze %dma_start3A_32 : memref<1x128xi32, #tpu.memory_space<vmem>> -> memref<128xi32, #tpu.memory_space<vmem>>
        %dma_start3A_34 = arith.constant 0 : i32
        %dma_start3A_35 = arith.constant 0 : i32
        %dma_start3A_36 = tpu.memref_slice %arg12[%dma_start3A_34, %dma_start3A_35] : memref<20480x16xf32, #tpu.memory_space<vmem_shared>> -> memref<20480x16xf32, #tpu.memory_space<vmem_shared>>
        tpu.enqueue_indirect_dma source(%arg11 : memref<128x16xf32, #tpu.memory_space<vmem>>) target(%dma_start3A_36 : memref<20480x16xf32, #tpu.memory_space<vmem_shared>>) offsets(%dma_start3A_33 : memref<128xi32, #tpu.memory_space<vmem>>) semaphore(%run_scoped3A : memref<!tpu.dma_semaphore, #tpu.memory_space<semaphore_mem>>) {add = true}
        %dma_wait3A = arith.constant 0 : i32
        %dma_wait3A_37 = tpu.memref_slice %arg9[%scan3A_31, %dma_wait3A] : memref<80x128xi32, #tpu.memory_space<vmem>> -> memref<1x128xi32, #tpu.memory_space<vmem>>
        %dma_wait3A_38 = tpu.memref_squeeze %dma_wait3A_37 : memref<1x128xi32, #tpu.memory_space<vmem>> -> memref<128xi32, #tpu.memory_space<vmem>>
        %dma_wait3A_39 = arith.constant 0 : i32
        %dma_wait3A_40 = arith.constant 0 : i32
        %dma_wait3A_41 = tpu.memref_slice %arg12[%dma_wait3A_39, %dma_wait3A_40] : memref<20480x16xf32, #tpu.memory_space<vmem_shared>> -> memref<20480x16xf32, #tpu.memory_space<vmem_shared>>
        tpu.wait_indirect_dma semaphore(%run_scoped3A : memref<!tpu.dma_semaphore, #tpu.memory_space<semaphore_mem>>) src(%arg11 : memref<128x16xf32, #tpu.memory_space<vmem>>) dst(%dma_wait3A_41 : memref<20480x16xf32, #tpu.memory_space<vmem_shared>>)
        tpu.yield
      }) : () -> ()
    }
    %scan3A_16 = arith.constant 80 : i32
    %scan3A_17 = arith.constant 0 : i32
    %scan3A_18 = arith.constant 0 : i32
    %scan3A_19 = arith.constant 16 : i32
    %scan3A_20 = arith.addi %scan3A_18, %scan3A_19 : i32
    %scan3A_21 = arith.constant 1 : i32
    scf.for %scan3A_31 = %scan3A_18 to %scan3A_20 step %scan3A_21  : i32 {
      "tpu.region"() ({
        %run_scoped3A = tpu.sem_alloc : memref<!tpu.dma_semaphore, #tpu.memory_space<semaphore_mem>>
        %dma_start3A = arith.constant 0 : i32
        %dma_start3A_32 = tpu.memref_slice %arg10[%scan3A_31, %dma_start3A] : memref<16x128xi32, #tpu.memory_space<vmem>> -> memref<1x128xi32, #tpu.memory_space<vmem>>
        %dma_start3A_33 = tpu.memref_squeeze %dma_start3A_32 : memref<1x128xi32, #tpu.memory_space<vmem>> -> memref<128xi32, #tpu.memory_space<vmem>>
        %dma_start3A_34 = arith.constant 0 : i32
        %dma_start3A_35 = arith.constant 0 : i32
        %dma_start3A_36 = tpu.memref_slice %arg13[%dma_start3A_34, %dma_start3A_35] : memref<4096x16xf32, #tpu.memory_space<vmem_shared>> -> memref<4096x16xf32, #tpu.memory_space<vmem_shared>>
        tpu.enqueue_indirect_dma source(%arg11 : memref<128x16xf32, #tpu.memory_space<vmem>>) target(%dma_start3A_36 : memref<4096x16xf32, #tpu.memory_space<vmem_shared>>) offsets(%dma_start3A_33 : memref<128xi32, #tpu.memory_space<vmem>>) semaphore(%run_scoped3A : memref<!tpu.dma_semaphore, #tpu.memory_space<semaphore_mem>>) {add = true}
        %dma_wait3A = arith.constant 0 : i32
        %dma_wait3A_37 = tpu.memref_slice %arg10[%scan3A_31, %dma_wait3A] : memref<16x128xi32, #tpu.memory_space<vmem>> -> memref<1x128xi32, #tpu.memory_space<vmem>>
        %dma_wait3A_38 = tpu.memref_squeeze %dma_wait3A_37 : memref<1x128xi32, #tpu.memory_space<vmem>> -> memref<128xi32, #tpu.memory_space<vmem>>
        %dma_wait3A_39 = arith.constant 0 : i32
        %dma_wait3A_40 = arith.constant 0 : i32
        %dma_wait3A_41 = tpu.memref_slice %arg13[%dma_wait3A_39, %dma_wait3A_40] : memref<4096x16xf32, #tpu.memory_space<vmem_shared>> -> memref<4096x16xf32, #tpu.memory_space<vmem_shared>>
        tpu.wait_indirect_dma semaphore(%run_scoped3A : memref<!tpu.dma_semaphore, #tpu.memory_space<semaphore_mem>>) src(%arg11 : memref<128x16xf32, #tpu.memory_space<vmem>>) dst(%dma_wait3A_41 : memref<4096x16xf32, #tpu.memory_space<vmem_shared>>)
        tpu.yield
      }) : () -> ()
    }
    %scan3A_22 = arith.constant 16 : i32
    %barrier3A_23 = arith.constant 0 : index
    tpu.barrier barrier_id(%barrier3A_23)
    %eq3A = arith.constant 0 : i32
    %eq3A_24 = arith.cmpi eq, %arg0, %eq3A : i32
    %convert_element_type3A = arith.extui %eq3A_24 : i1 to i32
    %cond3A = arith.constant 0 : i32
    %cond3A_25 = arith.cmpi ne, %convert_element_type3A, %cond3A : i32
    scf.if %cond3A_25 {
      %mul3A_31 = arith.constant 1280 : i32
      %mul3A_32 = arith.muli %arg1, %mul3A_31 : i32
      %mul3A_33 = arith.constant 1280 : i32
      %mul3A_34 = arith.muli %arg1, %mul3A_33 : i32
      %run_scoped3A = arith.constant 0 : i32
      "tpu.region"() ({
        %run_scoped3A_40 = tpu.sem_alloc : memref<!tpu.dma_semaphore, #tpu.memory_space<semaphore_mem>>
        %dma_start3A = arith.constant 0 : i32
        %dma_start3A_41 = arith.constant 0 : i32
        %dma_start3A_42 = tpu.memref_slice %arg7[%run_scoped3A, %dma_start3A, %dma_start3A_41] : memref<2x20480x16xf32, #tpu.memory_space<hbm>> -> memref<1x20480x16xf32, #tpu.memory_space<hbm>>
        %dma_start3A_43 = tpu.memref_squeeze %dma_start3A_42 : memref<1x20480x16xf32, #tpu.memory_space<hbm>> -> memref<20480x16xf32, #tpu.memory_space<hbm>>
        %dma_start3A_44 = arith.constant 0 : i32
        %dma_start3A_45 = tpu.memref_slice %dma_start3A_43[%mul3A_34, %dma_start3A_44] : memref<20480x16xf32, #tpu.memory_space<hbm>> -> memref<1280x16xf32, #tpu.memory_space<hbm>>
        %dma_start3A_46 = arith.constant 0 : i32
        %dma_start3A_47 = tpu.memref_slice %arg12[%mul3A_32, %dma_start3A_46] : memref<20480x16xf32, #tpu.memory_space<vmem_shared>> -> memref<1280x16xf32, #tpu.memory_space<vmem_shared>>
        tpu.enqueue_dma source(%dma_start3A_47 : memref<1280x16xf32, #tpu.memory_space<vmem_shared>>) target(%dma_start3A_45 : memref<1280x16xf32, #tpu.memory_space<hbm>>) target_semaphore(%run_scoped3A_40 : memref<!tpu.dma_semaphore, #tpu.memory_space<semaphore_mem>>)
        %dma_wait3A = arith.constant 0 : i32
        %dma_wait3A_48 = arith.constant 0 : i32
        %dma_wait3A_49 = tpu.memref_slice %arg7[%run_scoped3A, %dma_wait3A, %dma_wait3A_48] : memref<2x20480x16xf32, #tpu.memory_space<hbm>> -> memref<1x20480x16xf32, #tpu.memory_space<hbm>>
        %dma_wait3A_50 = tpu.memref_squeeze %dma_wait3A_49 : memref<1x20480x16xf32, #tpu.memory_space<hbm>> -> memref<20480x16xf32, #tpu.memory_space<hbm>>
        %dma_wait3A_51 = arith.constant 0 : i32
        %dma_wait3A_52 = tpu.memref_slice %dma_wait3A_50[%mul3A_34, %dma_wait3A_51] : memref<20480x16xf32, #tpu.memory_space<hbm>> -> memref<1280x16xf32, #tpu.memory_space<hbm>>
        %dma_wait3A_53 = arith.constant 0 : i32
        %dma_wait3A_54 = tpu.memref_slice %arg12[%mul3A_32, %dma_wait3A_53] : memref<20480x16xf32, #tpu.memory_space<vmem_shared>> -> memref<1280x16xf32, #tpu.memory_space<vmem_shared>>
        tpu.wait_dma2 semaphore(%run_scoped3A_40 : memref<!tpu.dma_semaphore, #tpu.memory_space<semaphore_mem>>) src(%dma_wait3A_54 : memref<1280x16xf32, #tpu.memory_space<vmem_shared>>) dst(%dma_wait3A_52 : memref<1280x16xf32, #tpu.memory_space<hbm>>)
        tpu.yield
      }) : () -> ()
      %mul3A_35 = arith.constant 256 : i32
      %mul3A_36 = arith.muli %arg1, %mul3A_35 : i32
      %mul3A_37 = arith.constant 256 : i32
      %mul3A_38 = arith.muli %arg1, %mul3A_37 : i32
      %run_scoped3A_39 = arith.constant 0 : i32
      "tpu.region"() ({
        %run_scoped3A_40 = tpu.sem_alloc : memref<!tpu.dma_semaphore, #tpu.memory_space<semaphore_mem>>
        %dma_start3A = arith.constant 0 : i32
        %dma_start3A_41 = arith.constant 0 : i32
        %dma_start3A_42 = tpu.memref_slice %arg8[%run_scoped3A_39, %dma_start3A, %dma_start3A_41] : memref<2x4096x16xf32, #tpu.memory_space<hbm>> -> memref<1x4096x16xf32, #tpu.memory_space<hbm>>
        %dma_start3A_43 = tpu.memref_squeeze %dma_start3A_42 : memref<1x4096x16xf32, #tpu.memory_space<hbm>> -> memref<4096x16xf32, #tpu.memory_space<hbm>>
        %dma_start3A_44 = arith.constant 0 : i32
        %dma_start3A_45 = tpu.memref_slice %dma_start3A_43[%mul3A_38, %dma_start3A_44] : memref<4096x16xf32, #tpu.memory_space<hbm>> -> memref<256x16xf32, #tpu.memory_space<hbm>>
        %dma_start3A_46 = arith.constant 0 : i32
        %dma_start3A_47 = tpu.memref_slice %arg13[%mul3A_36, %dma_start3A_46] : memref<4096x16xf32, #tpu.memory_space<vmem_shared>> -> memref<256x16xf32, #tpu.memory_space<vmem_shared>>
        tpu.enqueue_dma source(%dma_start3A_47 : memref<256x16xf32, #tpu.memory_space<vmem_shared>>) target(%dma_start3A_45 : memref<256x16xf32, #tpu.memory_space<hbm>>) target_semaphore(%run_scoped3A_40 : memref<!tpu.dma_semaphore, #tpu.memory_space<semaphore_mem>>)
        %dma_wait3A = arith.constant 0 : i32
        %dma_wait3A_48 = arith.constant 0 : i32
        %dma_wait3A_49 = tpu.memref_slice %arg8[%run_scoped3A_39, %dma_wait3A, %dma_wait3A_48] : memref<2x4096x16xf32, #tpu.memory_space<hbm>> -> memref<1x4096x16xf32, #tpu.memory_space<hbm>>
        %dma_wait3A_50 = tpu.memref_squeeze %dma_wait3A_49 : memref<1x4096x16xf32, #tpu.memory_space<hbm>> -> memref<4096x16xf32, #tpu.memory_space<hbm>>
        %dma_wait3A_51 = arith.constant 0 : i32
        %dma_wait3A_52 = tpu.memref_slice %dma_wait3A_50[%mul3A_38, %dma_wait3A_51] : memref<4096x16xf32, #tpu.memory_space<hbm>> -> memref<256x16xf32, #tpu.memory_space<hbm>>
        %dma_wait3A_53 = arith.constant 0 : i32
        %dma_wait3A_54 = tpu.memref_slice %arg13[%mul3A_36, %dma_wait3A_53] : memref<4096x16xf32, #tpu.memory_space<vmem_shared>> -> memref<256x16xf32, #tpu.memory_space<vmem_shared>>
        tpu.wait_dma2 semaphore(%run_scoped3A_40 : memref<!tpu.dma_semaphore, #tpu.memory_space<semaphore_mem>>) src(%dma_wait3A_54 : memref<256x16xf32, #tpu.memory_space<vmem_shared>>) dst(%dma_wait3A_52 : memref<256x16xf32, #tpu.memory_space<hbm>>)
        tpu.yield
      }) : () -> ()
    } else {
    }
    %eq3A_26 = arith.constant 1 : i32
    %eq3A_27 = arith.cmpi eq, %arg0, %eq3A_26 : i32
    %convert_element_type3A_28 = arith.extui %eq3A_27 : i1 to i32
    %cond3A_29 = arith.constant 0 : i32
    %cond3A_30 = arith.cmpi ne, %convert_element_type3A_28, %cond3A_29 : i32
    scf.if %cond3A_30 {
      %mul3A_31 = arith.constant 1280 : i32
      %mul3A_32 = arith.muli %arg1, %mul3A_31 : i32
      %mul3A_33 = arith.constant 1280 : i32
      %mul3A_34 = arith.muli %arg1, %mul3A_33 : i32
      %run_scoped3A = arith.constant 1 : i32
      "tpu.region"() ({
        %run_scoped3A_40 = tpu.sem_alloc : memref<!tpu.dma_semaphore, #tpu.memory_space<semaphore_mem>>
        %dma_start3A = arith.constant 0 : i32
        %dma_start3A_41 = arith.constant 0 : i32
        %dma_start3A_42 = tpu.memref_slice %arg7[%run_scoped3A, %dma_start3A, %dma_start3A_41] : memref<2x20480x16xf32, #tpu.memory_space<hbm>> -> memref<1x20480x16xf32, #tpu.memory_space<hbm>>
        %dma_start3A_43 = tpu.memref_squeeze %dma_start3A_42 : memref<1x20480x16xf32, #tpu.memory_space<hbm>> -> memref<20480x16xf32, #tpu.memory_space<hbm>>
        %dma_start3A_44 = arith.constant 0 : i32
        %dma_start3A_45 = tpu.memref_slice %dma_start3A_43[%mul3A_34, %dma_start3A_44] : memref<20480x16xf32, #tpu.memory_space<hbm>> -> memref<1280x16xf32, #tpu.memory_space<hbm>>
        %dma_start3A_46 = arith.constant 0 : i32
        %dma_start3A_47 = tpu.memref_slice %arg12[%mul3A_32, %dma_start3A_46] : memref<20480x16xf32, #tpu.memory_space<vmem_shared>> -> memref<1280x16xf32, #tpu.memory_space<vmem_shared>>
        tpu.enqueue_dma source(%dma_start3A_47 : memref<1280x16xf32, #tpu.memory_space<vmem_shared>>) target(%dma_start3A_45 : memref<1280x16xf32, #tpu.memory_space<hbm>>) target_semaphore(%run_scoped3A_40 : memref<!tpu.dma_semaphore, #tpu.memory_space<semaphore_mem>>)
        %dma_wait3A = arith.constant 0 : i32
        %dma_wait3A_48 = arith.constant 0 : i32
        %dma_wait3A_49 = tpu.memref_slice %arg7[%run_scoped3A, %dma_wait3A, %dma_wait3A_48] : memref<2x20480x16xf32, #tpu.memory_space<hbm>> -> memref<1x20480x16xf32, #tpu.memory_space<hbm>>
        %dma_wait3A_50 = tpu.memref_squeeze %dma_wait3A_49 : memref<1x20480x16xf32, #tpu.memory_space<hbm>> -> memref<20480x16xf32, #tpu.memory_space<hbm>>
        %dma_wait3A_51 = arith.constant 0 : i32
        %dma_wait3A_52 = tpu.memref_slice %dma_wait3A_50[%mul3A_34, %dma_wait3A_51] : memref<20480x16xf32, #tpu.memory_space<hbm>> -> memref<1280x16xf32, #tpu.memory_space<hbm>>
        %dma_wait3A_53 = arith.constant 0 : i32
        %dma_wait3A_54 = tpu.memref_slice %arg12[%mul3A_32, %dma_wait3A_53] : memref<20480x16xf32, #tpu.memory_space<vmem_shared>> -> memref<1280x16xf32, #tpu.memory_space<vmem_shared>>
        tpu.wait_dma2 semaphore(%run_scoped3A_40 : memref<!tpu.dma_semaphore, #tpu.memory_space<semaphore_mem>>) src(%dma_wait3A_54 : memref<1280x16xf32, #tpu.memory_space<vmem_shared>>) dst(%dma_wait3A_52 : memref<1280x16xf32, #tpu.memory_space<hbm>>)
        tpu.yield
      }) : () -> ()
      %mul3A_35 = arith.constant 256 : i32
      %mul3A_36 = arith.muli %arg1, %mul3A_35 : i32
      %mul3A_37 = arith.constant 256 : i32
      %mul3A_38 = arith.muli %arg1, %mul3A_37 : i32
      %run_scoped3A_39 = arith.constant 1 : i32
      "tpu.region"() ({
        %run_scoped3A_40 = tpu.sem_alloc : memref<!tpu.dma_semaphore, #tpu.memory_space<semaphore_mem>>
        %dma_start3A = arith.constant 0 : i32
        %dma_start3A_41 = arith.constant 0 : i32
        %dma_start3A_42 = tpu.memref_slice %arg8[%run_scoped3A_39, %dma_start3A, %dma_start3A_41] : memref<2x4096x16xf32, #tpu.memory_space<hbm>> -> memref<1x4096x16xf32, #tpu.memory_space<hbm>>
        %dma_start3A_43 = tpu.memref_squeeze %dma_start3A_42 : memref<1x4096x16xf32, #tpu.memory_space<hbm>> -> memref<4096x16xf32, #tpu.memory_space<hbm>>
        %dma_start3A_44 = arith.constant 0 : i32
        %dma_start3A_45 = tpu.memref_slice %dma_start3A_43[%mul3A_38, %dma_start3A_44] : memref<4096x16xf32, #tpu.memory_space<hbm>> -> memref<256x16xf32, #tpu.memory_space<hbm>>
        %dma_start3A_46 = arith.constant 0 : i32
        %dma_start3A_47 = tpu.memref_slice %arg13[%mul3A_36, %dma_start3A_46] : memref<4096x16xf32, #tpu.memory_space<vmem_shared>> -> memref<256x16xf32, #tpu.memory_space<vmem_shared>>
        tpu.enqueue_dma source(%dma_start3A_47 : memref<256x16xf32, #tpu.memory_space<vmem_shared>>) target(%dma_start3A_45 : memref<256x16xf32, #tpu.memory_space<hbm>>) target_semaphore(%run_scoped3A_40 : memref<!tpu.dma_semaphore, #tpu.memory_space<semaphore_mem>>)
        %dma_wait3A = arith.constant 0 : i32
        %dma_wait3A_48 = arith.constant 0 : i32
        %dma_wait3A_49 = tpu.memref_slice %arg8[%run_scoped3A_39, %dma_wait3A, %dma_wait3A_48] : memref<2x4096x16xf32, #tpu.memory_space<hbm>> -> memref<1x4096x16xf32, #tpu.memory_space<hbm>>
        %dma_wait3A_50 = tpu.memref_squeeze %dma_wait3A_49 : memref<1x4096x16xf32, #tpu.memory_space<hbm>> -> memref<4096x16xf32, #tpu.memory_space<hbm>>
        %dma_wait3A_51 = arith.constant 0 : i32
        %dma_wait3A_52 = tpu.memref_slice %dma_wait3A_50[%mul3A_38, %dma_wait3A_51] : memref<4096x16xf32, #tpu.memory_space<hbm>> -> memref<256x16xf32, #tpu.memory_space<hbm>>
        %dma_wait3A_53 = arith.constant 0 : i32
        %dma_wait3A_54 = tpu.memref_slice %arg13[%mul3A_36, %dma_wait3A_53] : memref<4096x16xf32, #tpu.memory_space<vmem_shared>> -> memref<256x16xf32, #tpu.memory_space<vmem_shared>>
        tpu.wait_dma2 semaphore(%run_scoped3A_40 : memref<!tpu.dma_semaphore, #tpu.memory_space<semaphore_mem>>) src(%dma_wait3A_54 : memref<256x16xf32, #tpu.memory_space<vmem_shared>>) dst(%dma_wait3A_52 : memref<256x16xf32, #tpu.memory_space<hbm>>)
        tpu.yield
      }) : () -> ()
    } else {
    }
    return
  }
}

#map = affine_map<(d0, d1) -> (0, 0)>
#map1 = affine_map<(d0, d1) -> (0, 0, 0)>
module attributes {stable_mosaic.version = 14 : i64} {
  func.func @_sc_l1(%arg0: i32, %arg1: i32, %arg2: memref<20000x256xf32, #tpu.memory_space<hbm>>, %arg3: memref<512x128xi32, #tpu.memory_space<hbm>>, %arg4: memref<512x128xi32, #tpu.memory_space<hbm>>, %arg5: memref<256x256xf32, #tpu.memory_space<hbm>>, %arg6: memref<2x4096x256xf32, #tpu.memory_space<hbm>>, %arg7: memref<16x128xi32, #tpu.memory_space<vmem>>, %arg8: memref<16x128xi32, #tpu.memory_space<vmem>>, %arg9: memref<128x256xf32, #tpu.memory_space<vmem>>, %arg10: memref<4096x256xf32, #tpu.memory_space<vmem_shared>>) attributes {dimension_semantics = [#tpu.dimension_semantics<core_parallel>, #tpu.dimension_semantics<subcore_parallel>], iteration_bounds = array<i64: 2, 16>, scalar_prefetch = 0 : i64, scratch_operands = 4 : i64, tpu.core_type = #tpu.core_type<sc_vector_subcore>, window_params = [{transform_indices = #map}, {transform_indices = #map}, {transform_indices = #map}, {transform_indices = #map}, {transform_indices = #map1}]} {
    %mul3A = arith.constant 256 : i32
    %mul3A_0 = arith.muli %arg1, %mul3A : i32
    "tpu.region"() ({
      %run_scoped3A = tpu.sem_alloc : memref<!tpu.dma_semaphore, #tpu.memory_space<semaphore_mem>>
      %dma_start3A = arith.constant 0 : i32
      %dma_start3A_18 = tpu.memref_slice %arg10[%mul3A_0, %dma_start3A] : memref<4096x256xf32, #tpu.memory_space<vmem_shared>> -> memref<256x256xf32, #tpu.memory_space<vmem_shared>>
      tpu.enqueue_dma source(%arg5 : memref<256x256xf32, #tpu.memory_space<hbm>>) target(%dma_start3A_18 : memref<256x256xf32, #tpu.memory_space<vmem_shared>>) target_semaphore(%run_scoped3A : memref<!tpu.dma_semaphore, #tpu.memory_space<semaphore_mem>>)
      %dma_wait3A = arith.constant 0 : i32
      %dma_wait3A_19 = tpu.memref_slice %arg10[%mul3A_0, %dma_wait3A] : memref<4096x256xf32, #tpu.memory_space<vmem_shared>> -> memref<256x256xf32, #tpu.memory_space<vmem_shared>>
      tpu.wait_dma2 semaphore(%run_scoped3A : memref<!tpu.dma_semaphore, #tpu.memory_space<semaphore_mem>>) src(%arg5 : memref<256x256xf32, #tpu.memory_space<hbm>>) dst(%dma_wait3A_19 : memref<256x256xf32, #tpu.memory_space<vmem_shared>>)
      tpu.yield
    }) : () -> ()
    %mul3A_1 = arith.constant 256 : i32
    %mul3A_2 = arith.muli %arg0, %mul3A_1 : i32
    %mul3A_3 = arith.constant 16 : i32
    %mul3A_4 = arith.muli %arg1, %mul3A_3 : i32
    %add3A = arith.addi %mul3A_2, %mul3A_4 : i32
    "tpu.region"() ({
      %run_scoped3A = tpu.sem_alloc : memref<!tpu.dma_semaphore, #tpu.memory_space<semaphore_mem>>
      %dma_start3A = arith.constant 0 : i32
      %dma_start3A_18 = tpu.memref_slice %arg3[%add3A, %dma_start3A] : memref<512x128xi32, #tpu.memory_space<hbm>> -> memref<16x128xi32, #tpu.memory_space<hbm>>
      %dma_start3A_19 = arith.constant 0 : i32
      %dma_start3A_20 = tpu.memref_slice %arg3[%add3A, %dma_start3A_19] : memref<512x128xi32, #tpu.memory_space<hbm>> -> memref<16x128xi32, #tpu.memory_space<hbm>>
      tpu.enqueue_dma source(%dma_start3A_20 : memref<16x128xi32, #tpu.memory_space<hbm>>) target(%arg7 : memref<16x128xi32, #tpu.memory_space<vmem>>) target_semaphore(%run_scoped3A : memref<!tpu.dma_semaphore, #tpu.memory_space<semaphore_mem>>)
      %dma_wait3A = arith.constant 0 : i32
      %dma_wait3A_21 = tpu.memref_slice %arg3[%add3A, %dma_wait3A] : memref<512x128xi32, #tpu.memory_space<hbm>> -> memref<16x128xi32, #tpu.memory_space<hbm>>
      %dma_wait3A_22 = arith.constant 0 : i32
      %dma_wait3A_23 = tpu.memref_slice %arg3[%add3A, %dma_wait3A_22] : memref<512x128xi32, #tpu.memory_space<hbm>> -> memref<16x128xi32, #tpu.memory_space<hbm>>
      tpu.wait_dma2 semaphore(%run_scoped3A : memref<!tpu.dma_semaphore, #tpu.memory_space<semaphore_mem>>) src(%dma_wait3A_23 : memref<16x128xi32, #tpu.memory_space<hbm>>) dst(%arg7 : memref<16x128xi32, #tpu.memory_space<vmem>>)
      tpu.yield
    }) : () -> ()
    "tpu.region"() ({
      %run_scoped3A = tpu.sem_alloc : memref<!tpu.dma_semaphore, #tpu.memory_space<semaphore_mem>>
      %dma_start3A = arith.constant 0 : i32
      %dma_start3A_18 = tpu.memref_slice %arg4[%add3A, %dma_start3A] : memref<512x128xi32, #tpu.memory_space<hbm>> -> memref<16x128xi32, #tpu.memory_space<hbm>>
      %dma_start3A_19 = arith.constant 0 : i32
      %dma_start3A_20 = tpu.memref_slice %arg4[%add3A, %dma_start3A_19] : memref<512x128xi32, #tpu.memory_space<hbm>> -> memref<16x128xi32, #tpu.memory_space<hbm>>
      tpu.enqueue_dma source(%dma_start3A_20 : memref<16x128xi32, #tpu.memory_space<hbm>>) target(%arg8 : memref<16x128xi32, #tpu.memory_space<vmem>>) target_semaphore(%run_scoped3A : memref<!tpu.dma_semaphore, #tpu.memory_space<semaphore_mem>>)
      %dma_wait3A = arith.constant 0 : i32
      %dma_wait3A_21 = tpu.memref_slice %arg4[%add3A, %dma_wait3A] : memref<512x128xi32, #tpu.memory_space<hbm>> -> memref<16x128xi32, #tpu.memory_space<hbm>>
      %dma_wait3A_22 = arith.constant 0 : i32
      %dma_wait3A_23 = tpu.memref_slice %arg4[%add3A, %dma_wait3A_22] : memref<512x128xi32, #tpu.memory_space<hbm>> -> memref<16x128xi32, #tpu.memory_space<hbm>>
      tpu.wait_dma2 semaphore(%run_scoped3A : memref<!tpu.dma_semaphore, #tpu.memory_space<semaphore_mem>>) src(%dma_wait3A_23 : memref<16x128xi32, #tpu.memory_space<hbm>>) dst(%arg8 : memref<16x128xi32, #tpu.memory_space<vmem>>)
      tpu.yield
    }) : () -> ()
    %barrier3A = arith.constant 0 : index
    tpu.barrier barrier_id(%barrier3A)
    %scan3A = arith.constant 0 : i32
    %scan3A_5 = arith.constant 0 : i32
    %scan3A_6 = arith.constant 16 : i32
    %scan3A_7 = arith.addi %scan3A_5, %scan3A_6 : i32
    %scan3A_8 = arith.constant 1 : i32
    scf.for %scan3A_18 = %scan3A_5 to %scan3A_7 step %scan3A_8  : i32 {
      "tpu.region"() ({
        %run_scoped3A = tpu.sem_alloc : memref<!tpu.dma_semaphore, #tpu.memory_space<semaphore_mem>>
        %dma_start3A = arith.constant 0 : i32
        %dma_start3A_19 = tpu.memref_slice %arg7[%scan3A_18, %dma_start3A] : memref<16x128xi32, #tpu.memory_space<vmem>> -> memref<1x128xi32, #tpu.memory_space<vmem>>
        %dma_start3A_20 = tpu.memref_squeeze %dma_start3A_19 : memref<1x128xi32, #tpu.memory_space<vmem>> -> memref<128xi32, #tpu.memory_space<vmem>>
        %dma_start3A_21 = arith.constant 0 : i32
        %dma_start3A_22 = arith.constant 0 : i32
        %dma_start3A_23 = tpu.memref_slice %arg2[%dma_start3A_21, %dma_start3A_22] : memref<20000x256xf32, #tpu.memory_space<hbm>> -> memref<20000x256xf32, #tpu.memory_space<hbm>>
        tpu.enqueue_indirect_dma source(%dma_start3A_23 : memref<20000x256xf32, #tpu.memory_space<hbm>>) target(%arg9 : memref<128x256xf32, #tpu.memory_space<vmem>>) offsets(%dma_start3A_20 : memref<128xi32, #tpu.memory_space<vmem>>) semaphore(%run_scoped3A : memref<!tpu.dma_semaphore, #tpu.memory_space<semaphore_mem>>)
        %dma_wait3A = arith.constant 0 : i32
        %dma_wait3A_24 = tpu.memref_slice %arg7[%scan3A_18, %dma_wait3A] : memref<16x128xi32, #tpu.memory_space<vmem>> -> memref<1x128xi32, #tpu.memory_space<vmem>>
        %dma_wait3A_25 = tpu.memref_squeeze %dma_wait3A_24 : memref<1x128xi32, #tpu.memory_space<vmem>> -> memref<128xi32, #tpu.memory_space<vmem>>
        %dma_wait3A_26 = arith.constant 0 : i32
        %dma_wait3A_27 = arith.constant 0 : i32
        %dma_wait3A_28 = tpu.memref_slice %arg2[%dma_wait3A_26, %dma_wait3A_27] : memref<20000x256xf32, #tpu.memory_space<hbm>> -> memref<20000x256xf32, #tpu.memory_space<hbm>>
        tpu.wait_indirect_dma semaphore(%run_scoped3A : memref<!tpu.dma_semaphore, #tpu.memory_space<semaphore_mem>>) src(%dma_wait3A_28 : memref<20000x256xf32, #tpu.memory_space<hbm>>) dst(%arg9 : memref<128x256xf32, #tpu.memory_space<vmem>>)
        tpu.yield
      }) : () -> ()
      "tpu.region"() ({
        %run_scoped3A = tpu.sem_alloc : memref<!tpu.dma_semaphore, #tpu.memory_space<semaphore_mem>>
        %dma_start3A = arith.constant 0 : i32
        %dma_start3A_19 = tpu.memref_slice %arg8[%scan3A_18, %dma_start3A] : memref<16x128xi32, #tpu.memory_space<vmem>> -> memref<1x128xi32, #tpu.memory_space<vmem>>
        %dma_start3A_20 = tpu.memref_squeeze %dma_start3A_19 : memref<1x128xi32, #tpu.memory_space<vmem>> -> memref<128xi32, #tpu.memory_space<vmem>>
        %dma_start3A_21 = arith.constant 0 : i32
        %dma_start3A_22 = arith.constant 0 : i32
        %dma_start3A_23 = tpu.memref_slice %arg10[%dma_start3A_21, %dma_start3A_22] : memref<4096x256xf32, #tpu.memory_space<vmem_shared>> -> memref<4096x256xf32, #tpu.memory_space<vmem_shared>>
        tpu.enqueue_indirect_dma source(%arg9 : memref<128x256xf32, #tpu.memory_space<vmem>>) target(%dma_start3A_23 : memref<4096x256xf32, #tpu.memory_space<vmem_shared>>) offsets(%dma_start3A_20 : memref<128xi32, #tpu.memory_space<vmem>>) semaphore(%run_scoped3A : memref<!tpu.dma_semaphore, #tpu.memory_space<semaphore_mem>>) {add = true}
        %dma_wait3A = arith.constant 0 : i32
        %dma_wait3A_24 = tpu.memref_slice %arg8[%scan3A_18, %dma_wait3A] : memref<16x128xi32, #tpu.memory_space<vmem>> -> memref<1x128xi32, #tpu.memory_space<vmem>>
        %dma_wait3A_25 = tpu.memref_squeeze %dma_wait3A_24 : memref<1x128xi32, #tpu.memory_space<vmem>> -> memref<128xi32, #tpu.memory_space<vmem>>
        %dma_wait3A_26 = arith.constant 0 : i32
        %dma_wait3A_27 = arith.constant 0 : i32
        %dma_wait3A_28 = tpu.memref_slice %arg10[%dma_wait3A_26, %dma_wait3A_27] : memref<4096x256xf32, #tpu.memory_space<vmem_shared>> -> memref<4096x256xf32, #tpu.memory_space<vmem_shared>>
        tpu.wait_indirect_dma semaphore(%run_scoped3A : memref<!tpu.dma_semaphore, #tpu.memory_space<semaphore_mem>>) src(%arg9 : memref<128x256xf32, #tpu.memory_space<vmem>>) dst(%dma_wait3A_28 : memref<4096x256xf32, #tpu.memory_space<vmem_shared>>)
        tpu.yield
      }) : () -> ()
    }
    %scan3A_9 = arith.constant 16 : i32
    %barrier3A_10 = arith.constant 0 : index
    tpu.barrier barrier_id(%barrier3A_10)
    %eq3A = arith.constant 0 : i32
    %eq3A_11 = arith.cmpi eq, %arg0, %eq3A : i32
    %convert_element_type3A = arith.extui %eq3A_11 : i1 to i32
    %cond3A = arith.constant 0 : i32
    %cond3A_12 = arith.cmpi ne, %convert_element_type3A, %cond3A : i32
    scf.if %cond3A_12 {
      %run_scoped3A = arith.constant 0 : i32
      "tpu.region"() ({
        %run_scoped3A_18 = tpu.sem_alloc : memref<!tpu.dma_semaphore, #tpu.memory_space<semaphore_mem>>
        %dma_start3A = arith.constant 0 : i32
        %dma_start3A_19 = arith.constant 0 : i32
        %dma_start3A_20 = tpu.memref_slice %arg6[%run_scoped3A, %dma_start3A, %dma_start3A_19] : memref<2x4096x256xf32, #tpu.memory_space<hbm>> -> memref<1x4096x256xf32, #tpu.memory_space<hbm>>
        %dma_start3A_21 = tpu.memref_squeeze %dma_start3A_20 : memref<1x4096x256xf32, #tpu.memory_space<hbm>> -> memref<4096x256xf32, #tpu.memory_space<hbm>>
        %dma_start3A_22 = arith.constant 0 : i32
        %dma_start3A_23 = tpu.memref_slice %dma_start3A_21[%mul3A_0, %dma_start3A_22] : memref<4096x256xf32, #tpu.memory_space<hbm>> -> memref<256x256xf32, #tpu.memory_space<hbm>>
        %dma_start3A_24 = arith.constant 0 : i32
        %dma_start3A_25 = tpu.memref_slice %arg10[%mul3A_0, %dma_start3A_24] : memref<4096x256xf32, #tpu.memory_space<vmem_shared>> -> memref<256x256xf32, #tpu.memory_space<vmem_shared>>
        tpu.enqueue_dma source(%dma_start3A_25 : memref<256x256xf32, #tpu.memory_space<vmem_shared>>) target(%dma_start3A_23 : memref<256x256xf32, #tpu.memory_space<hbm>>) target_semaphore(%run_scoped3A_18 : memref<!tpu.dma_semaphore, #tpu.memory_space<semaphore_mem>>)
        %dma_wait3A = arith.constant 0 : i32
        %dma_wait3A_26 = arith.constant 0 : i32
        %dma_wait3A_27 = tpu.memref_slice %arg6[%run_scoped3A, %dma_wait3A, %dma_wait3A_26] : memref<2x4096x256xf32, #tpu.memory_space<hbm>> -> memref<1x4096x256xf32, #tpu.memory_space<hbm>>
        %dma_wait3A_28 = tpu.memref_squeeze %dma_wait3A_27 : memref<1x4096x256xf32, #tpu.memory_space<hbm>> -> memref<4096x256xf32, #tpu.memory_space<hbm>>
        %dma_wait3A_29 = arith.constant 0 : i32
        %dma_wait3A_30 = tpu.memref_slice %dma_wait3A_28[%mul3A_0, %dma_wait3A_29] : memref<4096x256xf32, #tpu.memory_space<hbm>> -> memref<256x256xf32, #tpu.memory_space<hbm>>
        %dma_wait3A_31 = arith.constant 0 : i32
        %dma_wait3A_32 = tpu.memref_slice %arg10[%mul3A_0, %dma_wait3A_31] : memref<4096x256xf32, #tpu.memory_space<vmem_shared>> -> memref<256x256xf32, #tpu.memory_space<vmem_shared>>
        tpu.wait_dma2 semaphore(%run_scoped3A_18 : memref<!tpu.dma_semaphore, #tpu.memory_space<semaphore_mem>>) src(%dma_wait3A_32 : memref<256x256xf32, #tpu.memory_space<vmem_shared>>) dst(%dma_wait3A_30 : memref<256x256xf32, #tpu.memory_space<hbm>>)
        tpu.yield
      }) : () -> ()
    } else {
    }
    %eq3A_13 = arith.constant 1 : i32
    %eq3A_14 = arith.cmpi eq, %arg0, %eq3A_13 : i32
    %convert_element_type3A_15 = arith.extui %eq3A_14 : i1 to i32
    %cond3A_16 = arith.constant 0 : i32
    %cond3A_17 = arith.cmpi ne, %convert_element_type3A_15, %cond3A_16 : i32
    scf.if %cond3A_17 {
      %run_scoped3A = arith.constant 1 : i32
      "tpu.region"() ({
        %run_scoped3A_18 = tpu.sem_alloc : memref<!tpu.dma_semaphore, #tpu.memory_space<semaphore_mem>>
        %dma_start3A = arith.constant 0 : i32
        %dma_start3A_19 = arith.constant 0 : i32
        %dma_start3A_20 = tpu.memref_slice %arg6[%run_scoped3A, %dma_start3A, %dma_start3A_19] : memref<2x4096x256xf32, #tpu.memory_space<hbm>> -> memref<1x4096x256xf32, #tpu.memory_space<hbm>>
        %dma_start3A_21 = tpu.memref_squeeze %dma_start3A_20 : memref<1x4096x256xf32, #tpu.memory_space<hbm>> -> memref<4096x256xf32, #tpu.memory_space<hbm>>
        %dma_start3A_22 = arith.constant 0 : i32
        %dma_start3A_23 = tpu.memref_slice %dma_start3A_21[%mul3A_0, %dma_start3A_22] : memref<4096x256xf32, #tpu.memory_space<hbm>> -> memref<256x256xf32, #tpu.memory_space<hbm>>
        %dma_start3A_24 = arith.constant 0 : i32
        %dma_start3A_25 = tpu.memref_slice %arg10[%mul3A_0, %dma_start3A_24] : memref<4096x256xf32, #tpu.memory_space<vmem_shared>> -> memref<256x256xf32, #tpu.memory_space<vmem_shared>>
        tpu.enqueue_dma source(%dma_start3A_25 : memref<256x256xf32, #tpu.memory_space<vmem_shared>>) target(%dma_start3A_23 : memref<256x256xf32, #tpu.memory_space<hbm>>) target_semaphore(%run_scoped3A_18 : memref<!tpu.dma_semaphore, #tpu.memory_space<semaphore_mem>>)
        %dma_wait3A = arith.constant 0 : i32
        %dma_wait3A_26 = arith.constant 0 : i32
        %dma_wait3A_27 = tpu.memref_slice %arg6[%run_scoped3A, %dma_wait3A, %dma_wait3A_26] : memref<2x4096x256xf32, #tpu.memory_space<hbm>> -> memref<1x4096x256xf32, #tpu.memory_space<hbm>>
        %dma_wait3A_28 = tpu.memref_squeeze %dma_wait3A_27 : memref<1x4096x256xf32, #tpu.memory_space<hbm>> -> memref<4096x256xf32, #tpu.memory_space<hbm>>
        %dma_wait3A_29 = arith.constant 0 : i32
        %dma_wait3A_30 = tpu.memref_slice %dma_wait3A_28[%mul3A_0, %dma_wait3A_29] : memref<4096x256xf32, #tpu.memory_space<hbm>> -> memref<256x256xf32, #tpu.memory_space<hbm>>
        %dma_wait3A_31 = arith.constant 0 : i32
        %dma_wait3A_32 = tpu.memref_slice %arg10[%mul3A_0, %dma_wait3A_31] : memref<4096x256xf32, #tpu.memory_space<vmem_shared>> -> memref<256x256xf32, #tpu.memory_space<vmem_shared>>
        tpu.wait_dma2 semaphore(%run_scoped3A_18 : memref<!tpu.dma_semaphore, #tpu.memory_space<semaphore_mem>>) src(%dma_wait3A_32 : memref<256x256xf32, #tpu.memory_space<vmem_shared>>) dst(%dma_wait3A_30 : memref<256x256xf32, #tpu.memory_space<hbm>>)
        tpu.yield
      }) : () -> ()
    } else {
    }
    return
  }
}

#map = affine_map<(d0, d1) -> (0, 0)>
#map1 = affine_map<(d0, d1) -> (0, 0, 0)>
module attributes {stable_mosaic.version = 14 : i64} {
  func.func @_sc_l0(%arg0: i32, %arg1: i32, %arg2: memref<20480x64xf32, #tpu.memory_space<hbm>>, %arg3: memref<20480x64xf32, #tpu.memory_space<hbm>>, %arg4: memref<2560x128xi32, #tpu.memory_space<hbm>>, %arg5: memref<2560x128xi32, #tpu.memory_space<hbm>>, %arg6: memref<1280x64xf32, #tpu.memory_space<hbm>>, %arg7: memref<2x20480x64xf32, #tpu.memory_space<hbm>>, %arg8: memref<160x128xi32, #tpu.memory_space<vmem>>, %arg9: memref<160x128xi32, #tpu.memory_space<vmem>>, %arg10: memref<128x64xf32, #tpu.memory_space<vmem>>, %arg11: memref<20480x64xf32, #tpu.memory_space<vmem_shared>>) attributes {dimension_semantics = [#tpu.dimension_semantics<core_parallel>, #tpu.dimension_semantics<subcore_parallel>], iteration_bounds = array<i64: 2, 16>, scalar_prefetch = 0 : i64, scratch_operands = 4 : i64, tpu.core_type = #tpu.core_type<sc_vector_subcore>, window_params = [{transform_indices = #map}, {transform_indices = #map}, {transform_indices = #map}, {transform_indices = #map}, {transform_indices = #map}, {transform_indices = #map1}]} {
    %mul3A = arith.constant 1280 : i32
    %mul3A_0 = arith.muli %arg1, %mul3A : i32
    "tpu.region"() ({
      %run_scoped3A = tpu.sem_alloc : memref<!tpu.dma_semaphore, #tpu.memory_space<semaphore_mem>>
      %dma_start3A = arith.constant 0 : i32
      %dma_start3A_18 = tpu.memref_slice %arg11[%mul3A_0, %dma_start3A] : memref<20480x64xf32, #tpu.memory_space<vmem_shared>> -> memref<1280x64xf32, #tpu.memory_space<vmem_shared>>
      tpu.enqueue_dma source(%arg6 : memref<1280x64xf32, #tpu.memory_space<hbm>>) target(%dma_start3A_18 : memref<1280x64xf32, #tpu.memory_space<vmem_shared>>) target_semaphore(%run_scoped3A : memref<!tpu.dma_semaphore, #tpu.memory_space<semaphore_mem>>)
      %dma_wait3A = arith.constant 0 : i32
      %dma_wait3A_19 = tpu.memref_slice %arg11[%mul3A_0, %dma_wait3A] : memref<20480x64xf32, #tpu.memory_space<vmem_shared>> -> memref<1280x64xf32, #tpu.memory_space<vmem_shared>>
      tpu.wait_dma2 semaphore(%run_scoped3A : memref<!tpu.dma_semaphore, #tpu.memory_space<semaphore_mem>>) src(%arg6 : memref<1280x64xf32, #tpu.memory_space<hbm>>) dst(%dma_wait3A_19 : memref<1280x64xf32, #tpu.memory_space<vmem_shared>>)
      tpu.yield
    }) : () -> ()
    %mul3A_1 = arith.constant 160 : i32
    %mul3A_2 = arith.muli %arg1, %mul3A_1 : i32
    "tpu.region"() ({
      %run_scoped3A = tpu.sem_alloc : memref<!tpu.dma_semaphore, #tpu.memory_space<semaphore_mem>>
      %dma_start3A = arith.constant 0 : i32
      %dma_start3A_18 = tpu.memref_slice %arg4[%mul3A_2, %dma_start3A] : memref<2560x128xi32, #tpu.memory_space<hbm>> -> memref<160x128xi32, #tpu.memory_space<hbm>>
      %dma_start3A_19 = arith.constant 0 : i32
      %dma_start3A_20 = tpu.memref_slice %arg4[%mul3A_2, %dma_start3A_19] : memref<2560x128xi32, #tpu.memory_space<hbm>> -> memref<160x128xi32, #tpu.memory_space<hbm>>
      tpu.enqueue_dma source(%dma_start3A_20 : memref<160x128xi32, #tpu.memory_space<hbm>>) target(%arg8 : memref<160x128xi32, #tpu.memory_space<vmem>>) target_semaphore(%run_scoped3A : memref<!tpu.dma_semaphore, #tpu.memory_space<semaphore_mem>>)
      %dma_wait3A = arith.constant 0 : i32
      %dma_wait3A_21 = tpu.memref_slice %arg4[%mul3A_2, %dma_wait3A] : memref<2560x128xi32, #tpu.memory_space<hbm>> -> memref<160x128xi32, #tpu.memory_space<hbm>>
      %dma_wait3A_22 = arith.constant 0 : i32
      %dma_wait3A_23 = tpu.memref_slice %arg4[%mul3A_2, %dma_wait3A_22] : memref<2560x128xi32, #tpu.memory_space<hbm>> -> memref<160x128xi32, #tpu.memory_space<hbm>>
      tpu.wait_dma2 semaphore(%run_scoped3A : memref<!tpu.dma_semaphore, #tpu.memory_space<semaphore_mem>>) src(%dma_wait3A_23 : memref<160x128xi32, #tpu.memory_space<hbm>>) dst(%arg8 : memref<160x128xi32, #tpu.memory_space<vmem>>)
      tpu.yield
    }) : () -> ()
    %mul3A_3 = arith.constant 160 : i32
    %mul3A_4 = arith.muli %arg1, %mul3A_3 : i32
    "tpu.region"() ({
      %run_scoped3A = tpu.sem_alloc : memref<!tpu.dma_semaphore, #tpu.memory_space<semaphore_mem>>
      %dma_start3A = arith.constant 0 : i32
      %dma_start3A_18 = tpu.memref_slice %arg5[%mul3A_4, %dma_start3A] : memref<2560x128xi32, #tpu.memory_space<hbm>> -> memref<160x128xi32, #tpu.memory_space<hbm>>
      %dma_start3A_19 = arith.constant 0 : i32
      %dma_start3A_20 = tpu.memref_slice %arg5[%mul3A_4, %dma_start3A_19] : memref<2560x128xi32, #tpu.memory_space<hbm>> -> memref<160x128xi32, #tpu.memory_space<hbm>>
      tpu.enqueue_dma source(%dma_start3A_20 : memref<160x128xi32, #tpu.memory_space<hbm>>) target(%arg9 : memref<160x128xi32, #tpu.memory_space<vmem>>) target_semaphore(%run_scoped3A : memref<!tpu.dma_semaphore, #tpu.memory_space<semaphore_mem>>)
      %dma_wait3A = arith.constant 0 : i32
      %dma_wait3A_21 = tpu.memref_slice %arg5[%mul3A_4, %dma_wait3A] : memref<2560x128xi32, #tpu.memory_space<hbm>> -> memref<160x128xi32, #tpu.memory_space<hbm>>
      %dma_wait3A_22 = arith.constant 0 : i32
      %dma_wait3A_23 = tpu.memref_slice %arg5[%mul3A_4, %dma_wait3A_22] : memref<2560x128xi32, #tpu.memory_space<hbm>> -> memref<160x128xi32, #tpu.memory_space<hbm>>
      tpu.wait_dma2 semaphore(%run_scoped3A : memref<!tpu.dma_semaphore, #tpu.memory_space<semaphore_mem>>) src(%dma_wait3A_23 : memref<160x128xi32, #tpu.memory_space<hbm>>) dst(%arg9 : memref<160x128xi32, #tpu.memory_space<vmem>>)
      tpu.yield
    }) : () -> ()
    %barrier3A = arith.constant 0 : index
    tpu.barrier barrier_id(%barrier3A)
    %scan3A = arith.constant 0 : i32
    %scan3A_5 = arith.constant 0 : i32
    %scan3A_6 = arith.constant 160 : i32
    %scan3A_7 = arith.addi %scan3A_5, %scan3A_6 : i32
    %scan3A_8 = arith.constant 1 : i32
    scf.for %scan3A_18 = %scan3A_5 to %scan3A_7 step %scan3A_8  : i32 {
      %eq3A_19 = arith.constant 0 : i32
      %eq3A_20 = arith.cmpi eq, %arg0, %eq3A_19 : i32
      %convert_element_type3A_21 = arith.extui %eq3A_20 : i1 to i32
      %cond3A_22 = arith.constant 0 : i32
      %cond3A_23 = arith.cmpi ne, %convert_element_type3A_21, %cond3A_22 : i32
      scf.if %cond3A_23 {
        "tpu.region"() ({
          %run_scoped3A = tpu.sem_alloc : memref<!tpu.dma_semaphore, #tpu.memory_space<semaphore_mem>>
          %dma_start3A = arith.constant 0 : i32
          %dma_start3A_29 = tpu.memref_slice %arg8[%scan3A_18, %dma_start3A] : memref<160x128xi32, #tpu.memory_space<vmem>> -> memref<1x128xi32, #tpu.memory_space<vmem>>
          %dma_start3A_30 = tpu.memref_squeeze %dma_start3A_29 : memref<1x128xi32, #tpu.memory_space<vmem>> -> memref<128xi32, #tpu.memory_space<vmem>>
          %dma_start3A_31 = arith.constant 0 : i32
          %dma_start3A_32 = arith.constant 0 : i32
          %dma_start3A_33 = tpu.memref_slice %arg2[%dma_start3A_31, %dma_start3A_32] : memref<20480x64xf32, #tpu.memory_space<hbm>> -> memref<20480x64xf32, #tpu.memory_space<hbm>>
          tpu.enqueue_indirect_dma source(%dma_start3A_33 : memref<20480x64xf32, #tpu.memory_space<hbm>>) target(%arg10 : memref<128x64xf32, #tpu.memory_space<vmem>>) offsets(%dma_start3A_30 : memref<128xi32, #tpu.memory_space<vmem>>) semaphore(%run_scoped3A : memref<!tpu.dma_semaphore, #tpu.memory_space<semaphore_mem>>)
          %dma_wait3A = arith.constant 0 : i32
          %dma_wait3A_34 = tpu.memref_slice %arg8[%scan3A_18, %dma_wait3A] : memref<160x128xi32, #tpu.memory_space<vmem>> -> memref<1x128xi32, #tpu.memory_space<vmem>>
          %dma_wait3A_35 = tpu.memref_squeeze %dma_wait3A_34 : memref<1x128xi32, #tpu.memory_space<vmem>> -> memref<128xi32, #tpu.memory_space<vmem>>
          %dma_wait3A_36 = arith.constant 0 : i32
          %dma_wait3A_37 = arith.constant 0 : i32
          %dma_wait3A_38 = tpu.memref_slice %arg2[%dma_wait3A_36, %dma_wait3A_37] : memref<20480x64xf32, #tpu.memory_space<hbm>> -> memref<20480x64xf32, #tpu.memory_space<hbm>>
          tpu.wait_indirect_dma semaphore(%run_scoped3A : memref<!tpu.dma_semaphore, #tpu.memory_space<semaphore_mem>>) src(%dma_wait3A_38 : memref<20480x64xf32, #tpu.memory_space<hbm>>) dst(%arg10 : memref<128x64xf32, #tpu.memory_space<vmem>>)
          tpu.yield
        }) : () -> ()
      } else {
      }
      %eq3A_24 = arith.constant 1 : i32
      %eq3A_25 = arith.cmpi eq, %arg0, %eq3A_24 : i32
      %convert_element_type3A_26 = arith.extui %eq3A_25 : i1 to i32
      %cond3A_27 = arith.constant 0 : i32
      %cond3A_28 = arith.cmpi ne, %convert_element_type3A_26, %cond3A_27 : i32
      scf.if %cond3A_28 {
        "tpu.region"() ({
          %run_scoped3A = tpu.sem_alloc : memref<!tpu.dma_semaphore, #tpu.memory_space<semaphore_mem>>
          %dma_start3A = arith.constant 0 : i32
          %dma_start3A_29 = tpu.memref_slice %arg8[%scan3A_18, %dma_start3A] : memref<160x128xi32, #tpu.memory_space<vmem>> -> memref<1x128xi32, #tpu.memory_space<vmem>>
          %dma_start3A_30 = tpu.memref_squeeze %dma_start3A_29 : memref<1x128xi32, #tpu.memory_space<vmem>> -> memref<128xi32, #tpu.memory_space<vmem>>
          %dma_start3A_31 = arith.constant 0 : i32
          %dma_start3A_32 = arith.constant 0 : i32
          %dma_start3A_33 = tpu.memref_slice %arg3[%dma_start3A_31, %dma_start3A_32] : memref<20480x64xf32, #tpu.memory_space<hbm>> -> memref<20480x64xf32, #tpu.memory_space<hbm>>
          tpu.enqueue_indirect_dma source(%dma_start3A_33 : memref<20480x64xf32, #tpu.memory_space<hbm>>) target(%arg10 : memref<128x64xf32, #tpu.memory_space<vmem>>) offsets(%dma_start3A_30 : memref<128xi32, #tpu.memory_space<vmem>>) semaphore(%run_scoped3A : memref<!tpu.dma_semaphore, #tpu.memory_space<semaphore_mem>>)
          %dma_wait3A = arith.constant 0 : i32
          %dma_wait3A_34 = tpu.memref_slice %arg8[%scan3A_18, %dma_wait3A] : memref<160x128xi32, #tpu.memory_space<vmem>> -> memref<1x128xi32, #tpu.memory_space<vmem>>
          %dma_wait3A_35 = tpu.memref_squeeze %dma_wait3A_34 : memref<1x128xi32, #tpu.memory_space<vmem>> -> memref<128xi32, #tpu.memory_space<vmem>>
          %dma_wait3A_36 = arith.constant 0 : i32
          %dma_wait3A_37 = arith.constant 0 : i32
          %dma_wait3A_38 = tpu.memref_slice %arg3[%dma_wait3A_36, %dma_wait3A_37] : memref<20480x64xf32, #tpu.memory_space<hbm>> -> memref<20480x64xf32, #tpu.memory_space<hbm>>
          tpu.wait_indirect_dma semaphore(%run_scoped3A : memref<!tpu.dma_semaphore, #tpu.memory_space<semaphore_mem>>) src(%dma_wait3A_38 : memref<20480x64xf32, #tpu.memory_space<hbm>>) dst(%arg10 : memref<128x64xf32, #tpu.memory_space<vmem>>)
          tpu.yield
        }) : () -> ()
      } else {
      }
      "tpu.region"() ({
        %run_scoped3A = tpu.sem_alloc : memref<!tpu.dma_semaphore, #tpu.memory_space<semaphore_mem>>
        %dma_start3A = arith.constant 0 : i32
        %dma_start3A_29 = tpu.memref_slice %arg9[%scan3A_18, %dma_start3A] : memref<160x128xi32, #tpu.memory_space<vmem>> -> memref<1x128xi32, #tpu.memory_space<vmem>>
        %dma_start3A_30 = tpu.memref_squeeze %dma_start3A_29 : memref<1x128xi32, #tpu.memory_space<vmem>> -> memref<128xi32, #tpu.memory_space<vmem>>
        %dma_start3A_31 = arith.constant 0 : i32
        %dma_start3A_32 = arith.constant 0 : i32
        %dma_start3A_33 = tpu.memref_slice %arg11[%dma_start3A_31, %dma_start3A_32] : memref<20480x64xf32, #tpu.memory_space<vmem_shared>> -> memref<20480x64xf32, #tpu.memory_space<vmem_shared>>
        tpu.enqueue_indirect_dma source(%arg10 : memref<128x64xf32, #tpu.memory_space<vmem>>) target(%dma_start3A_33 : memref<20480x64xf32, #tpu.memory_space<vmem_shared>>) offsets(%dma_start3A_30 : memref<128xi32, #tpu.memory_space<vmem>>) semaphore(%run_scoped3A : memref<!tpu.dma_semaphore, #tpu.memory_space<semaphore_mem>>) {add = true}
        %dma_wait3A = arith.constant 0 : i32
        %dma_wait3A_34 = tpu.memref_slice %arg9[%scan3A_18, %dma_wait3A] : memref<160x128xi32, #tpu.memory_space<vmem>> -> memref<1x128xi32, #tpu.memory_space<vmem>>
        %dma_wait3A_35 = tpu.memref_squeeze %dma_wait3A_34 : memref<1x128xi32, #tpu.memory_space<vmem>> -> memref<128xi32, #tpu.memory_space<vmem>>
        %dma_wait3A_36 = arith.constant 0 : i32
        %dma_wait3A_37 = arith.constant 0 : i32
        %dma_wait3A_38 = tpu.memref_slice %arg11[%dma_wait3A_36, %dma_wait3A_37] : memref<20480x64xf32, #tpu.memory_space<vmem_shared>> -> memref<20480x64xf32, #tpu.memory_space<vmem_shared>>
        tpu.wait_indirect_dma semaphore(%run_scoped3A : memref<!tpu.dma_semaphore, #tpu.memory_space<semaphore_mem>>) src(%arg10 : memref<128x64xf32, #tpu.memory_space<vmem>>) dst(%dma_wait3A_38 : memref<20480x64xf32, #tpu.memory_space<vmem_shared>>)
        tpu.yield
      }) : () -> ()
    }
    %scan3A_9 = arith.constant 160 : i32
    %barrier3A_10 = arith.constant 0 : index
    tpu.barrier barrier_id(%barrier3A_10)
    %eq3A = arith.constant 0 : i32
    %eq3A_11 = arith.cmpi eq, %arg0, %eq3A : i32
    %convert_element_type3A = arith.extui %eq3A_11 : i1 to i32
    %cond3A = arith.constant 0 : i32
    %cond3A_12 = arith.cmpi ne, %convert_element_type3A, %cond3A : i32
    scf.if %cond3A_12 {
      %run_scoped3A = arith.constant 0 : i32
      "tpu.region"() ({
        %run_scoped3A_18 = tpu.sem_alloc : memref<!tpu.dma_semaphore, #tpu.memory_space<semaphore_mem>>
        %dma_start3A = arith.constant 0 : i32
        %dma_start3A_19 = arith.constant 0 : i32
        %dma_start3A_20 = tpu.memref_slice %arg7[%run_scoped3A, %dma_start3A, %dma_start3A_19] : memref<2x20480x64xf32, #tpu.memory_space<hbm>> -> memref<1x20480x64xf32, #tpu.memory_space<hbm>>
        %dma_start3A_21 = tpu.memref_squeeze %dma_start3A_20 : memref<1x20480x64xf32, #tpu.memory_space<hbm>> -> memref<20480x64xf32, #tpu.memory_space<hbm>>
        %dma_start3A_22 = arith.constant 0 : i32
        %dma_start3A_23 = tpu.memref_slice %dma_start3A_21[%mul3A_0, %dma_start3A_22] : memref<20480x64xf32, #tpu.memory_space<hbm>> -> memref<1280x64xf32, #tpu.memory_space<hbm>>
        %dma_start3A_24 = arith.constant 0 : i32
        %dma_start3A_25 = tpu.memref_slice %arg11[%mul3A_0, %dma_start3A_24] : memref<20480x64xf32, #tpu.memory_space<vmem_shared>> -> memref<1280x64xf32, #tpu.memory_space<vmem_shared>>
        tpu.enqueue_dma source(%dma_start3A_25 : memref<1280x64xf32, #tpu.memory_space<vmem_shared>>) target(%dma_start3A_23 : memref<1280x64xf32, #tpu.memory_space<hbm>>) target_semaphore(%run_scoped3A_18 : memref<!tpu.dma_semaphore, #tpu.memory_space<semaphore_mem>>)
        %dma_wait3A = arith.constant 0 : i32
        %dma_wait3A_26 = arith.constant 0 : i32
        %dma_wait3A_27 = tpu.memref_slice %arg7[%run_scoped3A, %dma_wait3A, %dma_wait3A_26] : memref<2x20480x64xf32, #tpu.memory_space<hbm>> -> memref<1x20480x64xf32, #tpu.memory_space<hbm>>
        %dma_wait3A_28 = tpu.memref_squeeze %dma_wait3A_27 : memref<1x20480x64xf32, #tpu.memory_space<hbm>> -> memref<20480x64xf32, #tpu.memory_space<hbm>>
        %dma_wait3A_29 = arith.constant 0 : i32
        %dma_wait3A_30 = tpu.memref_slice %dma_wait3A_28[%mul3A_0, %dma_wait3A_29] : memref<20480x64xf32, #tpu.memory_space<hbm>> -> memref<1280x64xf32, #tpu.memory_space<hbm>>
        %dma_wait3A_31 = arith.constant 0 : i32
        %dma_wait3A_32 = tpu.memref_slice %arg11[%mul3A_0, %dma_wait3A_31] : memref<20480x64xf32, #tpu.memory_space<vmem_shared>> -> memref<1280x64xf32, #tpu.memory_space<vmem_shared>>
        tpu.wait_dma2 semaphore(%run_scoped3A_18 : memref<!tpu.dma_semaphore, #tpu.memory_space<semaphore_mem>>) src(%dma_wait3A_32 : memref<1280x64xf32, #tpu.memory_space<vmem_shared>>) dst(%dma_wait3A_30 : memref<1280x64xf32, #tpu.memory_space<hbm>>)
        tpu.yield
      }) : () -> ()
    } else {
    }
    %eq3A_13 = arith.constant 1 : i32
    %eq3A_14 = arith.cmpi eq, %arg0, %eq3A_13 : i32
    %convert_element_type3A_15 = arith.extui %eq3A_14 : i1 to i32
    %cond3A_16 = arith.constant 0 : i32
    %cond3A_17 = arith.cmpi ne, %convert_element_type3A_15, %cond3A_16 : i32
    scf.if %cond3A_17 {
      %run_scoped3A = arith.constant 1 : i32
      "tpu.region"() ({
        %run_scoped3A_18 = tpu.sem_alloc : memref<!tpu.dma_semaphore, #tpu.memory_space<semaphore_mem>>
        %dma_start3A = arith.constant 0 : i32
        %dma_start3A_19 = arith.constant 0 : i32
        %dma_start3A_20 = tpu.memref_slice %arg7[%run_scoped3A, %dma_start3A, %dma_start3A_19] : memref<2x20480x64xf32, #tpu.memory_space<hbm>> -> memref<1x20480x64xf32, #tpu.memory_space<hbm>>
        %dma_start3A_21 = tpu.memref_squeeze %dma_start3A_20 : memref<1x20480x64xf32, #tpu.memory_space<hbm>> -> memref<20480x64xf32, #tpu.memory_space<hbm>>
        %dma_start3A_22 = arith.constant 0 : i32
        %dma_start3A_23 = tpu.memref_slice %dma_start3A_21[%mul3A_0, %dma_start3A_22] : memref<20480x64xf32, #tpu.memory_space<hbm>> -> memref<1280x64xf32, #tpu.memory_space<hbm>>
        %dma_start3A_24 = arith.constant 0 : i32
        %dma_start3A_25 = tpu.memref_slice %arg11[%mul3A_0, %dma_start3A_24] : memref<20480x64xf32, #tpu.memory_space<vmem_shared>> -> memref<1280x64xf32, #tpu.memory_space<vmem_shared>>
        tpu.enqueue_dma source(%dma_start3A_25 : memref<1280x64xf32, #tpu.memory_space<vmem_shared>>) target(%dma_start3A_23 : memref<1280x64xf32, #tpu.memory_space<hbm>>) target_semaphore(%run_scoped3A_18 : memref<!tpu.dma_semaphore, #tpu.memory_space<semaphore_mem>>)
        %dma_wait3A = arith.constant 0 : i32
        %dma_wait3A_26 = arith.constant 0 : i32
        %dma_wait3A_27 = tpu.memref_slice %arg7[%run_scoped3A, %dma_wait3A, %dma_wait3A_26] : memref<2x20480x64xf32, #tpu.memory_space<hbm>> -> memref<1x20480x64xf32, #tpu.memory_space<hbm>>
        %dma_wait3A_28 = tpu.memref_squeeze %dma_wait3A_27 : memref<1x20480x64xf32, #tpu.memory_space<hbm>> -> memref<20480x64xf32, #tpu.memory_space<hbm>>
        %dma_wait3A_29 = arith.constant 0 : i32
        %dma_wait3A_30 = tpu.memref_slice %dma_wait3A_28[%mul3A_0, %dma_wait3A_29] : memref<20480x64xf32, #tpu.memory_space<hbm>> -> memref<1280x64xf32, #tpu.memory_space<hbm>>
        %dma_wait3A_31 = arith.constant 0 : i32
        %dma_wait3A_32 = tpu.memref_slice %arg11[%mul3A_0, %dma_wait3A_31] : memref<20480x64xf32, #tpu.memory_space<vmem_shared>> -> memref<1280x64xf32, #tpu.memory_space<vmem_shared>>
        tpu.wait_dma2 semaphore(%run_scoped3A_18 : memref<!tpu.dma_semaphore, #tpu.memory_space<semaphore_mem>>) src(%dma_wait3A_32 : memref<1280x64xf32, #tpu.memory_space<vmem_shared>>) dst(%dma_wait3A_30 : memref<1280x64xf32, #tpu.memory_space<hbm>>)
        tpu.yield
      }) : () -> ()
    } else {
    }
    return
  }
}

module attributes {stable_mosaic.version = 14 : i64} {
  func.func @_tc_l0_body(%arg0: i32, %arg1: memref<2x160x64xf32, #tpu.memory_space<vmem>>, %arg2: memref<2x160x16xf32, #tpu.memory_space<vmem>>, %arg3: memref<160x64xf32, #tpu.memory_space<vmem>>, %arg4: memref<160x64xf32, #tpu.memory_space<vmem>>, %arg5: memref<128x256xf32, #tpu.memory_space<vmem>>, %arg6: memref<128x256xf32, #tpu.memory_space<vmem>>, %arg7: memref<8x256xf32, #tpu.memory_space<vmem>>, %arg8: memref<160x256xf32, #tpu.memory_space<vmem>>) attributes {dimension_semantics = [#tpu.dimension_semantics<arbitrary>], iteration_bounds = array<i64: 125>, scalar_prefetch = 0 : i64, scratch_operands = 0 : i64, tpu.core_type = #tpu.core_type<tc>, window_params = [{transform_indices = @transform_0, window_bounds = array<i64: 2, 160, 64>}, {transform_indices = @transform_1, window_bounds = array<i64: 2, 160, 16>}, {transform_indices = @transform_2, window_bounds = array<i64: 160, 64>}, {transform_indices = @transform_3, window_bounds = array<i64: 160, 64>}, {pipeline_mode = #tpu.pipeline_mode<synchronous>, transform_indices = @transform_4, window_bounds = array<i64: 128, 256>}, {pipeline_mode = #tpu.pipeline_mode<synchronous>, transform_indices = @transform_5, window_bounds = array<i64: 128, 256>}, {pipeline_mode = #tpu.pipeline_mode<synchronous>, transform_indices = @transform_6, window_bounds = array<i64: 8, 256>}, {transform_indices = @transform_7, window_bounds = array<i64: 160, 256>}]} {
    %get3A = arith.constant 0 : index
    %get3A_0 = arith.constant 0 : index
    %get3A_1 = arith.constant 0 : index
    %get3A_2 = vector.load %arg2[%get3A, %get3A_0, %get3A_1] : memref<2x160x16xf32, #tpu.memory_space<vmem>>, vector<1x160x1xf32>
    %get3A_3 = vector.shape_cast %get3A_2 : vector<1x160x1xf32> to vector<160x1xf32>
    %get3A_4 = arith.constant 1 : index
    %get3A_5 = arith.constant 0 : index
    %get3A_6 = arith.constant 0 : index
    %get3A_7 = vector.load %arg2[%get3A_4, %get3A_5, %get3A_6] : memref<2x160x16xf32, #tpu.memory_space<vmem>>, vector<1x160x1xf32>
    %get3A_8 = vector.shape_cast %get3A_7 : vector<1x160x1xf32> to vector<160x1xf32>
    %add3A = arith.addf %get3A_3, %get3A_8 : vector<160x1xf32>
    %max3A = arith.constant 1.000000e+00 : f32
    %max3A_9 = vector.broadcast %max3A : f32 to vector<160x1xf32>
    %max3A_10 = arith.maximumf %add3A, %max3A_9 : vector<160x1xf32>
    %div3A = arith.constant 1.000000e+00 : f32
    %div3A_11 = vector.broadcast %div3A : f32 to vector<160x1xf32>
    %div3A_12 = arith.divf %div3A_11, %max3A_10 : vector<160x1xf32>
    %get3A_13 = arith.constant 0 : index
    %get3A_14 = arith.constant 0 : index
    %get3A_15 = arith.constant 0 : index
    %get3A_16 = vector.load %arg1[%get3A_13, %get3A_14, %get3A_15] : memref<2x160x64xf32, #tpu.memory_space<vmem>>, vector<1x160x64xf32>
    %get3A_17 = vector.shape_cast %get3A_16 : vector<1x160x64xf32> to vector<160x64xf32>
    %mul3A = vector.broadcast %div3A_12 : vector<160x1xf32> to vector<160x64xf32>
    %mul3A_18 = arith.mulf %get3A_17, %mul3A : vector<160x64xf32>
    %get3A_19 = arith.constant 1 : index
    %get3A_20 = arith.constant 0 : index
    %get3A_21 = arith.constant 0 : index
    %get3A_22 = vector.load %arg1[%get3A_19, %get3A_20, %get3A_21] : memref<2x160x64xf32, #tpu.memory_space<vmem>>, vector<1x160x64xf32>
    %get3A_23 = vector.shape_cast %get3A_22 : vector<1x160x64xf32> to vector<160x64xf32>
    %mul3A_24 = vector.broadcast %div3A_12 : vector<160x1xf32> to vector<160x64xf32>
    %mul3A_25 = arith.mulf %get3A_23, %mul3A_24 : vector<160x64xf32>
    %get3A_26 = arith.constant 0 : index
    %get3A_27 = arith.constant 0 : index
    %get3A_28 = vector.load %arg5[%get3A_26, %get3A_27] : memref<128x256xf32, #tpu.memory_space<vmem>>, vector<128x256xf32>
    %get3A_29 = arith.constant 0 : index
    %get3A_30 = arith.constant 0 : index
    %get3A_31 = vector.load %arg6[%get3A_29, %get3A_30] : memref<128x256xf32, #tpu.memory_space<vmem>>, vector<128x256xf32>
    %slice3A = vector.extract_strided_slice %get3A_28 {offsets = [0, 0], sizes = [64, 256], strides = [1, 1]} : vector<128x256xf32> to vector<64x256xf32>
    %dot_general3A = arith.constant dense<0.000000e+00> : vector<160x256xf32>
    %dot_general3A_32 = tpu.matmul %mul3A_18, %slice3A, %dot_general3A {dimension_numbers = #tpu.dot_dimension_numbers<[1], [0], [0], [1], [0, 0, 1, 1], [], []>, transpose_lhs_hint = false} : vector<160x64xf32>, vector<64x256xf32>, vector<160x256xf32> -> vector<160x256xf32>
    %slice3A_33 = vector.extract_strided_slice %get3A_28 {offsets = [64, 0], sizes = [64, 256], strides = [1, 1]} : vector<128x256xf32> to vector<64x256xf32>
    %dot_general3A_34 = arith.constant dense<0.000000e+00> : vector<160x256xf32>
    %dot_general3A_35 = tpu.matmul %mul3A_25, %slice3A_33, %dot_general3A_34 {dimension_numbers = #tpu.dot_dimension_numbers<[1], [0], [0], [1], [0, 0, 1, 1], [], []>, transpose_lhs_hint = false} : vector<160x64xf32>, vector<64x256xf32>, vector<160x256xf32> -> vector<160x256xf32>
    %add3A_36 = arith.addf %dot_general3A_32, %dot_general3A_35 : vector<160x256xf32>
    %get3A_37 = arith.constant 0 : index
    %get3A_38 = arith.constant 0 : index
    %get3A_39 = vector.load %arg3[%get3A_37, %get3A_38] : memref<160x64xf32, #tpu.memory_space<vmem>>, vector<160x64xf32>
    %slice3A_40 = vector.extract_strided_slice %get3A_31 {offsets = [0, 0], sizes = [64, 256], strides = [1, 1]} : vector<128x256xf32> to vector<64x256xf32>
    %dot_general3A_41 = arith.constant dense<0.000000e+00> : vector<160x256xf32>
    %dot_general3A_42 = tpu.matmul %get3A_39, %slice3A_40, %dot_general3A_41 {dimension_numbers = #tpu.dot_dimension_numbers<[1], [0], [0], [1], [0, 0, 1, 1], [], []>, transpose_lhs_hint = false} : vector<160x64xf32>, vector<64x256xf32>, vector<160x256xf32> -> vector<160x256xf32>
    %add3A_43 = arith.addf %add3A_36, %dot_general3A_42 : vector<160x256xf32>
    %get3A_44 = arith.constant 0 : index
    %get3A_45 = arith.constant 0 : index
    %get3A_46 = vector.load %arg4[%get3A_44, %get3A_45] : memref<160x64xf32, #tpu.memory_space<vmem>>, vector<160x64xf32>
    %slice3A_47 = vector.extract_strided_slice %get3A_31 {offsets = [64, 0], sizes = [64, 256], strides = [1, 1]} : vector<128x256xf32> to vector<64x256xf32>
    %dot_general3A_48 = arith.constant dense<0.000000e+00> : vector<160x256xf32>
    %dot_general3A_49 = tpu.matmul %get3A_46, %slice3A_47, %dot_general3A_48 {dimension_numbers = #tpu.dot_dimension_numbers<[1], [0], [0], [1], [0, 0, 1, 1], [], []>, transpose_lhs_hint = false} : vector<160x64xf32>, vector<64x256xf32>, vector<160x256xf32> -> vector<160x256xf32>
    %add3A_50 = arith.addf %add3A_43, %dot_general3A_49 : vector<160x256xf32>
    %get3A_51 = arith.constant 0 : index
    %get3A_52 = arith.constant 0 : index
    %get3A_53 = vector.load %arg7[%get3A_51, %get3A_52] : memref<8x256xf32, #tpu.memory_space<vmem>>, vector<1x256xf32>
    %add3A_54 = vector.broadcast %get3A_53 : vector<1x256xf32> to vector<160x256xf32>
    %add3A_55 = arith.addf %add3A_50, %add3A_54 : vector<160x256xf32>
    %max3A_56 = arith.constant 0.000000e+00 : f32
    %max3A_57 = vector.broadcast %max3A_56 : f32 to vector<160x256xf32>
    %max3A_58 = arith.maximumf %add3A_55, %max3A_57 : vector<160x256xf32>
    %swap3A = arith.constant 0 : index
    %swap3A_59 = arith.constant 0 : index
    %swap3A_60 = vector.load %arg8[%swap3A, %swap3A_59] : memref<160x256xf32, #tpu.memory_space<vmem>>, vector<160x256xf32>
    tpu.vector_store %arg8[%swap3A, %swap3A_59], %max3A_58 {strides = array<i32>} : memref<160x256xf32, #tpu.memory_space<vmem>>, vector<160x256xf32>,
    return
  }
  func.func @transform_0(%arg0: i32) -> (i32, i32, i32) {
    %c0_i32 = arith.constant 0 : i32
    %c0_i32_0 = arith.constant 0 : i32
    %c0_i32_1 = arith.constant 0 : i32
    return %c0_i32, %arg0, %c0_i32_0 : i32, i32, i32
  }
  func.func @transform_1(%arg0: i32) -> (i32, i32, i32) {
    %c0_i32 = arith.constant 0 : i32
    %c0_i32_0 = arith.constant 0 : i32
    %c0_i32_1 = arith.constant 0 : i32
    return %c0_i32, %arg0, %c0_i32_0 : i32, i32, i32
  }
  func.func @transform_2(%arg0: i32) -> (i32, i32) {
    %c0_i32 = arith.constant 0 : i32
    %c0_i32_0 = arith.constant 0 : i32
    return %arg0, %c0_i32 : i32, i32
  }
  func.func @transform_3(%arg0: i32) -> (i32, i32) {
    %c0_i32 = arith.constant 0 : i32
    %c0_i32_0 = arith.constant 0 : i32
    return %arg0, %c0_i32 : i32, i32
  }
  func.func @transform_4(%arg0: i32) -> (i32, i32) {
    %c0_i32 = arith.constant 0 : i32
    %c0_i32_0 = arith.constant 0 : i32
    %c0_i32_1 = arith.constant 0 : i32
    return %c0_i32, %c0_i32_0 : i32, i32
  }
  func.func @transform_5(%arg0: i32) -> (i32, i32) {
    %c0_i32 = arith.constant 0 : i32
    %c0_i32_0 = arith.constant 0 : i32
    %c0_i32_1 = arith.constant 0 : i32
    return %c0_i32, %c0_i32_0 : i32, i32
  }
  func.func @transform_6(%arg0: i32) -> (i32, i32) {
    %c0_i32 = arith.constant 0 : i32
    %c0_i32_0 = arith.constant 0 : i32
    %c0_i32_1 = arith.constant 0 : i32
    return %c0_i32, %c0_i32_0 : i32, i32
  }
  func.func @transform_7(%arg0: i32) -> (i32, i32) {
    %c0_i32 = arith.constant 0 : i32
    %c0_i32_0 = arith.constant 0 : i32
    return %arg0, %c0_i32 : i32, i32
  }
}

module attributes {stable_mosaic.version = 14 : i64} {
  func.func @_tc_l1_body(%arg0: i32, %arg1: memref<2x256x256xf32, #tpu.memory_space<vmem>>, %arg2: memref<2x256x16xf32, #tpu.memory_space<vmem>>, %arg3: memref<256x256xf32, #tpu.memory_space<vmem>>, %arg4: memref<256x47xf32, #tpu.memory_space<vmem>>, %arg5: memref<256x47xf32, #tpu.memory_space<vmem>>, %arg6: memref<8x47xf32, #tpu.memory_space<vmem>>, %arg7: memref<256x47xf32, #tpu.memory_space<vmem>>, %arg8: memref<256x47xf32, #tpu.memory_space<vmem>>) attributes {dimension_semantics = [#tpu.dimension_semantics<arbitrary>], iteration_bounds = array<i64: 16>, scalar_prefetch = 0 : i64, scratch_operands = 0 : i64, tpu.core_type = #tpu.core_type<tc>, window_params = [{transform_indices = @transform_0, window_bounds = array<i64: 2, 256, 256>}, {transform_indices = @transform_1, window_bounds = array<i64: 2, 256, 16>}, {transform_indices = @transform_2, window_bounds = array<i64: 256, 256>}, {pipeline_mode = #tpu.pipeline_mode<synchronous>, transform_indices = @transform_3, window_bounds = array<i64: 256, 47>}, {pipeline_mode = #tpu.pipeline_mode<synchronous>, transform_indices = @transform_4, window_bounds = array<i64: 256, 47>}, {pipeline_mode = #tpu.pipeline_mode<synchronous>, transform_indices = @transform_5, window_bounds = array<i64: 8, 47>}, {transform_indices = @transform_6, window_bounds = array<i64: 256, 47>}, {transform_indices = @transform_7, window_bounds = array<i64: 256, 47>}]} {
    %get3A = arith.constant 0 : index
    %get3A_0 = arith.constant 0 : index
    %get3A_1 = arith.constant 0 : index
    %get3A_2 = vector.load %arg1[%get3A, %get3A_0, %get3A_1] : memref<2x256x256xf32, #tpu.memory_space<vmem>>, vector<1x256x256xf32>
    %get3A_3 = vector.shape_cast %get3A_2 : vector<1x256x256xf32> to vector<256x256xf32>
    %get3A_4 = arith.constant 1 : index
    %get3A_5 = arith.constant 0 : index
    %get3A_6 = arith.constant 0 : index
    %get3A_7 = vector.load %arg1[%get3A_4, %get3A_5, %get3A_6] : memref<2x256x256xf32, #tpu.memory_space<vmem>>, vector<1x256x256xf32>
    %get3A_8 = vector.shape_cast %get3A_7 : vector<1x256x256xf32> to vector<256x256xf32>
    %add3A = arith.addf %get3A_3, %get3A_8 : vector<256x256xf32>
    %get3A_9 = arith.constant 0 : index
    %get3A_10 = arith.constant 0 : index
    %get3A_11 = arith.constant 0 : index
    %get3A_12 = vector.load %arg2[%get3A_9, %get3A_10, %get3A_11] : memref<2x256x16xf32, #tpu.memory_space<vmem>>, vector<1x256x1xf32>
    %get3A_13 = vector.shape_cast %get3A_12 : vector<1x256x1xf32> to vector<256x1xf32>
    %get3A_14 = arith.constant 1 : index
    %get3A_15 = arith.constant 0 : index
    %get3A_16 = arith.constant 0 : index
    %get3A_17 = vector.load %arg2[%get3A_14, %get3A_15, %get3A_16] : memref<2x256x16xf32, #tpu.memory_space<vmem>>, vector<1x256x1xf32>
    %get3A_18 = vector.shape_cast %get3A_17 : vector<1x256x1xf32> to vector<256x1xf32>
    %add3A_19 = arith.addf %get3A_13, %get3A_18 : vector<256x1xf32>
    %max3A = arith.constant 1.000000e+00 : f32
    %max3A_20 = vector.broadcast %max3A : f32 to vector<256x1xf32>
    %max3A_21 = arith.maximumf %add3A_19, %max3A_20 : vector<256x1xf32>
    %div3A = vector.broadcast %max3A_21 : vector<256x1xf32> to vector<256x256xf32>
    %div3A_22 = arith.divf %add3A, %div3A : vector<256x256xf32>
    %get3A_23 = arith.constant 0 : index
    %get3A_24 = arith.constant 0 : index
    %get3A_25 = vector.load %arg4[%get3A_23, %get3A_24] : memref<256x47xf32, #tpu.memory_space<vmem>>, vector<256x47xf32>
    %dot_general3A = arith.constant dense<0.000000e+00> : vector<256x47xf32>
    %dot_general3A_26 = tpu.matmul %div3A_22, %get3A_25, %dot_general3A {dimension_numbers = #tpu.dot_dimension_numbers<[1], [0], [0], [1], [0, 0, 1, 1], [], []>, transpose_lhs_hint = false} : vector<256x256xf32>, vector<256x47xf32>, vector<256x47xf32> -> vector<256x47xf32>
    %get3A_27 = arith.constant 0 : index
    %get3A_28 = arith.constant 0 : index
    %get3A_29 = vector.load %arg3[%get3A_27, %get3A_28] : memref<256x256xf32, #tpu.memory_space<vmem>>, vector<256x256xf32>
    %get3A_30 = arith.constant 0 : index
    %get3A_31 = arith.constant 0 : index
    %get3A_32 = vector.load %arg5[%get3A_30, %get3A_31] : memref<256x47xf32, #tpu.memory_space<vmem>>, vector<256x47xf32>
    %dot_general3A_33 = arith.constant dense<0.000000e+00> : vector<256x47xf32>
    %dot_general3A_34 = tpu.matmul %get3A_29, %get3A_32, %dot_general3A_33 {dimension_numbers = #tpu.dot_dimension_numbers<[1], [0], [0], [1], [0, 0, 1, 1], [], []>, transpose_lhs_hint = false} : vector<256x256xf32>, vector<256x47xf32>, vector<256x47xf32> -> vector<256x47xf32>
    %add3A_35 = arith.addf %dot_general3A_26, %dot_general3A_34 : vector<256x47xf32>
    %get3A_36 = arith.constant 0 : index
    %get3A_37 = arith.constant 0 : index
    %get3A_38 = vector.load %arg6[%get3A_36, %get3A_37] : memref<8x47xf32, #tpu.memory_space<vmem>>, vector<1x47xf32>
    %add3A_39 = vector.broadcast %get3A_38 : vector<1x47xf32> to vector<256x47xf32>
    %add3A_40 = arith.addf %add3A_35, %add3A_39 : vector<256x47xf32>
    %reduce_max3A = arith.constant dense<0xFF800000> : vector<256xf32>
    %reduce_max3A_41 = vector.multi_reduction <maximumf>, %add3A_40, %reduce_max3A [1] : vector<256x47xf32> to vector<256xf32>
    %broadcast_in_dim3A = vector.shape_cast %reduce_max3A_41 : vector<256xf32> to vector<256x1xf32>
    %sub3A = vector.broadcast %broadcast_in_dim3A : vector<256x1xf32> to vector<256x47xf32>
    %sub3A_42 = arith.subf %add3A_40, %sub3A : vector<256x47xf32>
    %exp3A = math.exp %sub3A_42 : vector<256x47xf32>
    %reduce_sum3A = arith.constant dense<0.000000e+00> : vector<256xf32>
    %reduce_sum3A_43 = vector.multi_reduction <add>, %exp3A, %reduce_sum3A [1] : vector<256x47xf32> to vector<256xf32>
    %broadcast_in_dim3A_44 = vector.shape_cast %reduce_sum3A_43 : vector<256xf32> to vector<256x1xf32>
    %log3A = math.log %broadcast_in_dim3A_44 : vector<256x1xf32>
    %add3A_45 = arith.addf %log3A, %broadcast_in_dim3A : vector<256x1xf32>
    %swap3A = arith.constant 0 : index
    %swap3A_46 = arith.constant 0 : index
    %swap3A_47 = vector.load %arg8[%swap3A, %swap3A_46] : memref<256x47xf32, #tpu.memory_space<vmem>>, vector<256x47xf32>
    tpu.vector_store %arg8[%swap3A, %swap3A_46], %add3A_40 {strides = array<i32>} : memref<256x47xf32, #tpu.memory_space<vmem>>, vector<256x47xf32>,
    %sub3A_48 = vector.broadcast %add3A_45 : vector<256x1xf32> to vector<256x47xf32>
    %sub3A_49 = arith.subf %add3A_40, %sub3A_48 : vector<256x47xf32>
    %swap3A_50 = arith.constant 0 : index
    %swap3A_51 = arith.constant 0 : index
    %swap3A_52 = vector.load %arg7[%swap3A_50, %swap3A_51] : memref<256x47xf32, #tpu.memory_space<vmem>>, vector<256x47xf32>
    tpu.vector_store %arg7[%swap3A_50, %swap3A_51], %sub3A_49 {strides = array<i32>} : memref<256x47xf32, #tpu.memory_space<vmem>>, vector<256x47xf32>,
    return
  }
  func.func @transform_0(%arg0: i32) -> (i32, i32, i32) {
    %c0_i32 = arith.constant 0 : i32
    %c0_i32_0 = arith.constant 0 : i32
    %c0_i32_1 = arith.constant 0 : i32
    return %c0_i32, %arg0, %c0_i32_0 : i32, i32, i32
  }
  func.func @transform_1(%arg0: i32) -> (i32, i32, i32) {
    %c0_i32 = arith.constant 0 : i32
    %c0_i32_0 = arith.constant 0 : i32
    %c0_i32_1 = arith.constant 0 : i32
    return %c0_i32, %arg0, %c0_i32_0 : i32, i32, i32
  }
  func.func @transform_2(%arg0: i32) -> (i32, i32) {
    %c0_i32 = arith.constant 0 : i32
    %c0_i32_0 = arith.constant 0 : i32
    return %arg0, %c0_i32 : i32, i32
  }
  func.func @transform_3(%arg0: i32) -> (i32, i32) {
    %c0_i32 = arith.constant 0 : i32
    %c0_i32_0 = arith.constant 0 : i32
    %c0_i32_1 = arith.constant 0 : i32
    return %c0_i32, %c0_i32_0 : i32, i32
  }
  func.func @transform_4(%arg0: i32) -> (i32, i32) {
    %c0_i32 = arith.constant 0 : i32
    %c0_i32_0 = arith.constant 0 : i32
    %c0_i32_1 = arith.constant 0 : i32
    return %c0_i32, %c0_i32_0 : i32, i32
  }
  func.func @transform_5(%arg0: i32) -> (i32, i32) {
    %c0_i32 = arith.constant 0 : i32
    %c0_i32_0 = arith.constant 0 : i32
    %c0_i32_1 = arith.constant 0 : i32
    return %c0_i32, %c0_i32_0 : i32, i32
  }
  func.func @transform_6(%arg0: i32) -> (i32, i32) {
    %c0_i32 = arith.constant 0 : i32
    %c0_i32_0 = arith.constant 0 : i32
    return %arg0, %c0_i32 : i32, i32
  }
  func.func @transform_7(%arg0: i32) -> (i32, i32) {
    %c0_i32 = arith.constant 0 : i32
    %c0_i32_0 = arith.constant 0 : i32
    return %arg0, %c0_i32 : i32, i32
  }
}

</mosaic_0001>

<sc_bundles>
// kernel: kernel.10.cloned.1.call-start
scs
__scs_entry_jumppad:
0x0: {  	(pc) =	sbr.rel $0x88, $3  }
0x1: {  	(tag) =	ssettag $0x0;
	lr =	simm.s32 $0x1  }
0x2: {  	[smem:$0x3F98] =	sst lr;
	_ =	strace $0xD0000000  }
0x3: {  	_ = 	snop  }
0x4: {  	_ = 	snop  }
0x5: {  	_ = 	snop  }
0x6: {  	_ = 	snop  }
0x7: {  	_ = 	snop  }
__scs_overlays_trampoline_lowered:
0x8: {  	[smem:$0x3FA7] =	sst s0  }
0x9: {  	[smem:$0x3FA8] =	sst s1  }
0xa: {  	[smem:$0x3FA9] =	sst s2  }
0xb: {  	[smem:$0x3FAA] =	sst s3  }
0xc: {  	[smem:$0x3FAB] =	sst s4  }
0xd: {  	[smem:$0x3FAC] =	sst s5  }
0xe: {  	[smem:$0x3FAD] =	sst s6  }
0xf: {  	[smem:$0x3FAE] =	sst s7  }
0x10: {  	[smem:$0x3FAF] =	sst s8  }
0x11: {  	[smem:$0x3FB0] =	sst s9;
	s0 =	simm.s32 @!p0 $0x0  }
0x12: {  	s1 =	sld [smem:$0x3F96];
	s0 =	simm.s32 @p0 $0x1  }
0x13: {  	[smem:$0x3FB1] =	sst s0;
	s0 =	simm.s32 @!p1 $0x0  }
0x14: {  	s2 =	sld [smem:$0x3F95];
	s0 =	simm.s32 @p1 $0x1  }
0x15: {  	[smem:$0x3FB2] =	sst s0;
	s0 =	simm.s32 @!p2 $0x0  }
0x16: {  	s3 =	sld [smem:$0x3FDB];
	s0 =	simm.s32 @p2 $0x1  }
0x17: {  	s4 =	simm.s32 $0x1BF5;
	[smem:$0x3FB4] =	sst s0  }
0x18: {  	s0 =	sld [smem:$0x3F97];
	_ =	swait.ge [sflag:s4], $0x0  }
0x19: {  	s7 =	sld [smem:$0x3F98]  }
0x1a: {  	s8 =	sadd.s32 $0xFFFFE003, lr  }
0x1b: {  	s9 =	sadd.s32 $0xFFFFFEF7, lr;
	s5 =	simm.s32 $0xFFFFFFFF;
	p2 =	slt.u32 s8, $0xFFFFF086  }
0x1c: {  	p1 =	slt.u32 s9, $0xF7A;
	s5 =	simm.s32 @!p2 $0x0  }
0x1d: {  	s5 =	simm.s32 @p1 $0x1;
	p0 =	seq.s32 s7, s2  }
0x1e: {  	s7 =	smul.u32 @!p0 $0xF7A, s2;
	p2 =	seq.s32 @!p0 s5, $0x0  }
0x1f: {  	s9 =	smul.u32 $0xF7A, s1;
	s8 =	simm.s32 @!p0 $0x1BF5;
	p2 =	por !p2, p0  }
0x20: {  	[sflag:s8] =	ssyncset.s32 @!p0 $0xFFFFF086;
	s6 =	sadd.s32 @!p0 s3, s7;
	s7 =	simm.s32 @!p0 $0x108  }
0x21: {  	s3 =	sadd.s32 s3, s9;
	s6 =	sadd.s32 @!p0 $0x88, s6;
	s7 =	simm.s32 @p2 $0x1082  }
0x22: {  	[simem:s7], [sflag:s8] =	dma.local @!p0 [hbm:s6], $0xF7A  }
0x23: {  	s9 =	sor.u32 $0xD0000000, s2;
	s6 =	simm.s32 $0x108;
	_ =	swait.ge @!p0 [sflag:s8], $0x0  }
0x24: {  	s3 =	sadd.s32 $0x88, s3;
	s6 =	simm.s32 @!p1 $0x1082;
	[sflag:s4] =	ssyncset.s32 $0xFFFFF086  }
0x25: {  	[simem:s6], [sflag:s4] =	dma.local [hbm:s3], $0xF7A  }
0x26: {  	[smem:$0x3F98] =	sst s1;
	(tag) =	ssettag s2;
	_ =	strace s9  }
0x27: {  	s1 =	sld [smem:$0x3FA8]  }
0x28: {  	s2 =	sld [smem:$0x3FA9]  }
0x29: {  	s4 =	sld [smem:$0x3FAB]  }
0x2a: {  	p0 =	seq.s32 s5, $0x0;
	s5 =	sld [smem:$0x3FAC]  }
0x2b: {  	s6 =	sld [smem:$0x3FAD]  }
0x2c: {  	s7 =	sld [smem:$0x3FAE]  }
0x2d: {  	s3 =	simm.s32 $0x108;
	s8 =	sld [smem:$0x3FAF]  }
0x2e: {  	s3 =	simm.s32 @!p0 $0x1082;
	s9 =	sld [smem:$0x3FB0]  }
0x2f: {  	lr =	sadd.s32 s0, s3;
	s0 =	sld [smem:$0x3FA7]  }
0x30: {  	s3 =	sld [smem:$0x3FAA]  }
0x31: {  	[smem:$0x3FB3] =	sst s10  }
0x32: {  	s10 =	sld [smem:$0x3FB1];
	_ =	sdelay $0x3  }
0x33: {  	p0 =	seq.s32 s10, $0x1;
	s10 =	sld [smem:$0x3FB3];
	_ =	sdelay $0x3  }
0x34: {  	[smem:$0x3FB3] =	sst s10  }
0x35: {  	s10 =	sld [smem:$0x3FB2];
	_ =	sdelay $0x3  }
0x36: {  	p1 =	seq.s32 s10, $0x1;
	s10 =	sld [smem:$0x3FB3];
	_ =	sdelay $0x3  }
0x37: {  	[smem:$0x3FB3] =	sst s10  }
0x38: {  	s10 =	sld [smem:$0x3FB4]  }
0x39: {  	_ = 	snop;
	(pc) =	sbr.ind lr, $3  }
0x3a: {  	_ = 	snop  }
0x3b: {  	_ = 	snop  }
0x3c: {  	p2 =	seq.s32 s10, $0x1;
	s10 =	sld [smem:$0x3FB3]  }
0x3d: {  	_ =	shalt  }
0x3e: {  	_ =	shalt  }
0x3f: {  	_ =	shalt  }
0x40: {  	_ =	shalt  }
0x41: {  	_ =	shalt  }
0x42: {  	_ =	shalt  }
0x43: {  	_ =	shalt  }
0x44: {  	_ =	shalt  }
0x45: {  	_ =	shalt  }
0x46: {  	_ =	shalt  }
0x47: {  	_ =	shalt  }
0x48: {  	_ =	shalt  }
0x49: {  	_ =	shalt  }
0x4a: {  	_ =	shalt  }
0x4b: {  	_ =	shalt  }
0x4c: {  	_ =	shalt  }
0x4d: {  	_ =	shalt  }
0x4e: {  	_ =	shalt  }
0x4f: {  	_ =	shalt  }
0x50: {  	_ =	shalt  }
0x51: {  	_ =	shalt  }
0x52: {  	_ =	shalt  }
0x53: {  	_ =	shalt  }
0x54: {  	_ =	shalt  }
0x55: {  	_ =	shalt  }
0x56: {  	_ =	shalt  }
0x57: {  	_ =	shalt  }
0x58: {  	_ =	shalt  }
0x59: {  	_ =	shalt  }
0x5a: {  	_ =	shalt  }
0x5b: {  	_ =	shalt  }
0x5c: {  	_ =	shalt  }
0x5d: {  	_ =	shalt  }
0x5e: {  	_ =	shalt  }
0x5f: {  	_ =	shalt  }
0x60: {  	_ =	shalt  }
0x61: {  	_ =	shalt  }
0x62: {  	_ =	shalt  }
0x63: {  	_ =	shalt  }
0x64: {  	_ =	shalt  }
0x65: {  	_ =	shalt  }
0x66: {  	_ =	shalt  }
0x67: {  	_ =	shalt  }
0x68: {  	_ =	shalt  }
0x69: {  	_ =	shalt  }
0x6a: {  	_ =	shalt  }
0x6b: {  	_ =	shalt  }
0x6c: {  	_ =	shalt  }
0x6d: {  	_ =	shalt  }
0x6e: {  	_ =	shalt  }
0x6f: {  	_ =	shalt  }
0x70: {  	_ =	shalt  }
0x71: {  	_ =	shalt  }
0x72: {  	_ =	shalt  }
0x73: {  	_ =	shalt  }
0x74: {  	_ =	shalt  }
0x75: {  	_ =	shalt  }
0x76: {  	_ =	shalt  }
0x77: {  	_ =	shalt  }
0x78: {  	_ =	shalt  }
0x79: {  	_ =	shalt  }
0x7a: {  	_ =	shalt  }
0x7b: {  	_ =	shalt  }
0x7c: {  	_ =	shalt  }
0x7d: {  	_ =	shalt  }
0x7e: {  	_ =	shalt  }
0x7f: {  	_ =	shalt  }
0x80: {  	_ =	shalt  }
0x81: {  	_ =	shalt  }
0x82: {  	_ =	shalt  }
0x83: {  	_ =	shalt  }
0x84: {  	_ =	shalt  }
0x85: {  	_ =	shalt  }
0x86: {  	_ =	shalt  }
0x87: {  	_ =	shalt  }
.Lfunc_end0:
.L_simem_size_0:
called_computation.1_lowered:
.L_overlay_start_0:
0x88: {  	s2 =	sld [smem:$0x3FD9]  }
0x89: {  	s3 =	sld [smem:$0x3FFE];
	_ =	sdelay $0x1  }
0x8a: {  	s1 =	srdreg.scid  }
0x8b: {  	s0 =	sand.u32 $0x1, s1  }
0x8c: {  	s14 =	sshll.u32 s0, $0xA;
	s2 =	sadd.s32 s3, s2  }
0x8d: {  	s2 =	sadd.s32 s2, s14  }
0x8e: {  	[smem:$0x3FBF] =	sst s2  }
0x8f: {  	_ = 	snop  }
0x90: {  	s2 =	sld [smem:$0x3FD0];
	_ =	sdelay $0x2  }
0x91: {  	s15 =	simm.s32 $0xB;
	s4 =	simm.s32 $0x10  }
0x92: {  	[smem:s4], [sflag:s15] =	dma.local [hbm:s2], $0x1  }
0x93: {  	_ =	swait.eq [sflag:s15], $0x1  }
0x94: {  	[sflag:s15] =	ssyncset.done $0x0  }
0x95: {  	s16 =	sld [smem:$0x10];
	[sflag:s15] =	ssyncadd.s32 $0xFFFFFFFF  }
0x96: {  	s17 =	sld [smem:$0x12];
	(tm) =	ssettm $0x1  }
0x97: {  	s18 =	sld [smem:$0x3FFB];
	_ =	sdelay $0x3  }
0x98: {  	_ =	strace s18  }
0x99: {  	s4 =	sld [smem:$0x3FFC];
	_ =	sdelay $0x3  }
0x9a: {  	_ =	strace s4  }
0x9b: {  	s4 =	sld [smem:$0x3FFD];
	_ =	sdelay $0x3  }
0x9c: {  	_ =	strace s4  }
0x9d: {  	_ =	strace $0x8FFFFFFF  }
0x9e: {  	s19 =	sld [smem:$0x3FDB];
	_ =	sdelay $0x1  }
0x9f: {  	s5 =	simm.s32 $_scs_section_size  }
0xa0: {  	s6 =	simm.s32 $_size__tile_overlayer_lowered;
	s7 =	simm.s32 $_tile_overlayer_lowered  }
0xa1: {  	s22 =	simm.s32 $0x1BFF;
	s21 =	sshll.u32 s7, $0x1;
	s4 =	sadd.s32 s5, s19  }
0xa2: {  	s8 =	simm.s32 $0x0;
	s20 =	sshll.u32 s6, $0x1;
	s6 =	sadd.s32 s21, s4  }
0xa3: {  	[timem:s8], [sflag:s22] =	dma.local [hbm:s6], s20  }
0xa4: {  	_ =	swait.ge [sflag:s22], s20  }
0xa5: {  	s5 =	ssub.s32 $0x0, s20;
	[sflag:s22] =	ssyncset.done $0x0  }
0xa6: {  	[sflag:s22] =	ssyncadd.s32 s5;
	_ =	sdelay $0x1  }
0xa7: {  	s23 =	simm.s32 $0x1B8B  }
0xa8: {  	_ =	swait.ge [sflag:s23], $0x1  }
0xa9: {  	[sflag:s23] =	ssyncset.done $0x0  }
0xaa: {  	s25 =	simm.s32 $0x1B8E;
	s24 =	sld [smem:$0x3FFE];
	[sflag:s23] =	ssyncadd.s32 $0xFFFFFFFF  }
0xab: {  	s26 =	simm.s32 $execute0_lowered;
	[smem:$0x3FD2] =	sst s25  }
0xac: {  	s6 =	sshll.u32 s26, $0x1;
	_ =	strace $0x80000046;
	[dreg:$0x1] =	wrdreg $0xFFFFFFFF  }
0xad: {  	s28 =	simm.s32 $_size_execute0_lowered;
	s4 =	sadd.s32 s4, s6;
	[dreg:$0x0] =	wrdreg $0x0  }
0xae: {  	s6 =	sshll.u32 s28, $0x1;
	[dreg:$0x2] =	wrdreg s4  }
0xaf: {  	[dreg:$0x3] =	wrdreg s6  }
0xb0: {  	[dreg:$0x4] =	wrdreg $0xC0  }
0xb1: {  	_ =	task [dreg:s8], $0x5FFFF  }
0xb2: {  	[dreg:$0x1] =	wrdreg $0xFFFFFFFF  }
0xb3: {  	[dreg:$0x0] =	wrdreg $0x60  }
0xb4: {  	[dreg:$0x2] =	wrdreg s24  }
0xb5: {  	[dreg:$0x3] =	wrdreg s16  }
0xb6: {  	[dreg:$0x4] =	wrdreg s17  }
0xb7: {  	[dreg:$0x5] =	wrdreg $0xC0000  }
0xb8: {  	[dreg:$0x6] =	wrdreg $0xA  }
0xb9: {  	_ =	task.clear_ibuf [dreg:s8], $0x7FFFF;
	_ =	strace $0x90000046  }
0xba: {  	s29 =	simm.s32 $0xA;
	_ =	strace $0x80000048  }
0xbb: {  	_ =	swait.ge [sflag:s29], $0x1  }
0xbc: {  	[sflag:s29] =	ssyncadd.s32 $0xFFFFFFFF  }
0xbd: {  	_ =	strace $0x90000048  }
0xbe: {  	_ =	sfence  }
0xbf: {  	s30 =	sld [smem:$0x0];
	_ =	sdelay $0x2  }
0xc0: {  	s31 =	sshll.u32 s1, $0xD;
	s1 =	sshrl.u32 s1, $0x2  }
0xc1: {  	s3 =	sand.u32 $0x4000, s31;
	s1 =	sadd.s32 s1, s30  }
0xc2: {  	s0 =	sor.u32 s3, s0;
	s1 =	sshll.u32 s1, $0x11  }
0xc3: {  	s0 =	sor.u32 s1, s0  }
0xc4: {  	s0 =	sadd.s32 $0x8F2B, s0  }
0xc5: {  	[sflag:s0] =	ssyncadd.remote.s32 $0x1  }
0xc6: {  	_ =	sfence.sel $0xFFFF  }
0xc7: {  	[dreg:$0x0] =	wrdreg $0xFFFFFFFF;
	(pc) =	sbr.abs _section_cstart, $3  }
0xc8: {  	[dreg:$0x1] =	wrdreg $0xFFFFFFFF  }
0xc9: {  	_ =	task.clear_ibuf [dreg:s8], $0x2FFFF;
	_ =	strace $0x9FFFFFFF  }
0xca: {  	(tm) =	ssettm $0x7FFFFFFF  }
0xcb: {  	_ =	shalt  }
tec
execute0_lowered:
.L_overlay_start_1:
0x0: {  	(tag) =	ssettag $0x1  }
0x1: {  	s6 =	rddreg [dreg:$0x0]  }
0x2: {  	s1 =	rddreg [dreg:$0x1]  }
0x3: {  	s10 =	rddreg [dreg:$0x2]  }
0x4: {  	s2 =	rddreg [dreg:$0x3]  }
0x5: {  	s0 =	rddreg [dreg:$0x4]  }
0x6: {  	s4 =	simm.s32 $0x0;
	s5 =	srdreg.scid;
	s3 =	stileid.u32  }
0x7: {  	[smem:$0x7FF] =	sst s4;
	s9 =	sand.u32 $0x1, s5;
	s7 =	smul.u32 $0xA00, s3  }
0x8: {  	s5 =	sadd.s32 $0x2A400, s6;
	s11 =	sadd.s32 $0x2400, s6;
	s13 =	smul.u32 $0x14000, s3  }
0x9: {  	s31 =	sshll.u32 s3, $0x6;
	s17 =	sadd.s32 $0x28000, s10;
	s8 =	ssub.s32 $0x2, s9  }
0xa: {  	_ =	strace $0x80000047;
	p0 =	seq.s32 s9, $0x1;
	s12 =	sshrl.u32 s8, $0x1  }
0xb: {  	s14 =	sadd.s32 s7, s6;
	s15 =	sadd.s32 s13, s2;
	s6 =	sor.u32 $0x1C01, s31  }
0xc: {  	s16 =	sshrl.u32 s13, $0x3;
	s5 =	smov.u32 @p0 s11;
	s13 =	simm.s32 $0x5000  }
0xd: {  	s12 =	ssub.s32 s8, s12;
	s7 =	sadd.s32 $0x52400, s14;
	s8 =	sadd.s32 $0x5C400, s14  }
0xe: {  	s9 =	sadd.s32 s10, s16;
	s11 =	sshrl.u32 s15, $0x3;
	s14 =	simm.s32 $0x80  }
0xf: {  	s16 =	sadd.s32 @p0 s16, s17;
	s15 =	simm.s32 $0xA000;
	s10 =	smax.u32 s12, $0x1  }
0x10: {  	s12 =	simm.s32 $0x1;
	s9 =	smov.u32 @p0 s16;
	s16 =	simm.s32 $0x0  }
.LBB2_1:
0x11: {  	[spmem:s11], [sflag:s6] =	dma.local [hbm:s1], $0x2800  }
0x12: {  	_ =	swait.ge [sflag:s12], $0x2800  }
0x13: {  	[sflag:s12] =	ssyncset.done $0x0  }
0x14: {  	[sflag:s12] =	ssyncadd.s32 $0xFFFFD800  }
0x15: {  	[tilespmem:s4], [sflag:$0x1] =	stream.linear.gather [hbm4b:s7+s4], $0x5000, $0x38;
	v63 =	vld [tilespmem:$0x0]  }
0x16: {  	_ =	swait.ge [sflag:s12], $0x5000  }
0x17: {  	[sflag:s12] =	ssyncset.done $0x0  }
0x18: {  	[sflag:s12] =	ssyncadd.s32 $0xFFFFB000  }
0x19: {  	[tilespmem:s13], [sflag:$0x1] =	stream.linear.gather [hbm4b:s8+s4], $0x5000, $0x38;
	v63 =	vld [tilespmem:$0x0]  }
0x1a: {  	_ =	swait.ge [sflag:s12], $0x5000  }
0x1b: {  	[sflag:s12] =	ssyncset.done $0x0  }
0x1c: {  	[sflag:s12] =	ssyncadd.s32 $0xFFFFB000  }
0x1d: {  	s17 =	simm.s32 $0x0;
	[bflag:$0x0] =	sbarrier.arrive $0xFFFF  }
0x1e: {  	[tilespmem:s15], [sflag:$0x1] =	stream.indirect.gather [hbm4b:s5+s14], $0x40, s17, s14, $0xb8;
	v63 =	vld [tilespmem:$0x0]  }
0x1f: {  	_ =	swait.ge [sflag:s12], $0x2000  }
0x20: {  	[sflag:s12] =	ssyncset.done $0x0  }
0x21: {  	s31 =	simm.s32 $0x5000;
	[sflag:s12] =	ssyncadd.s32 $0xFFFFE000  }
0x22: {  	[spmem:s2] =	stream.indirect.scatter.add.f32 [tilespmem:s15], [sflag:$0x1], $0x40, s31, s14, $0xb8;
	v63 =	vld [tilespmem:$0x0]  }
0x23: {  	_ =	swait.ge [sflag:s12], $0x2000  }
0x24: {  	s18 =	simm.s32 $0x400;
	s17 =	simm.s32 $0x200;
	[sflag:s12] =	ssyncset.done $0x0  }
.LBB2_2:
0x25: {  	s19 =	sshra.s32 s17, $0x2  }
0x26: {  	[sflag:s12] =	ssyncadd.s32 $0xFFFFE000;
	s17 =	smov.u32 s18;
	s20 =	sadd.s32 $0x200, s18  }
0x27: {  	[tilespmem:s15], [sflag:$0x1] =	stream.indirect.gather [hbm4b:s5+s14], $0x40, s19, s14, $0xb8;
	v63 =	vld [tilespmem:$0x0]  }
0x28: {  	p0 =	sne.s32 s18, $0x13E00;
	_ =	swait.ge [sflag:s12], $0x2000  }
.Ltmp0:
0x29: {  	[sflag:s12] =	ssyncset.done $0x0;
	(pc) =	sbr.rel @p0 .LBB2_2-.Ltmp0, $4  }
0x2a: {  	s18 =	sadd.s32 $0x5000, s19;
	[sflag:s12] =	ssyncadd.s32 $0xFFFFE000  }
0x2b: {  	[spmem:s2] =	stream.indirect.scatter.add.f32 [tilespmem:s15], [sflag:$0x1], $0x40, s18, s14, $0xb8;
	v63 =	vld [tilespmem:$0x0]  }
0x2c: {  	_ =	swait.ge [sflag:s12], $0x2000  }
0x2d: {  	s18 =	smov.u32 s20;
	[sflag:s12] =	ssyncset.done $0x0  }
0x2e: {  	s17 =	sshra.s32 s17, $0x2;
	[sflag:s12] =	ssyncadd.s32 $0xFFFFE000  }
0x2f: {  	[tilespmem:s15], [sflag:$0x1] =	stream.indirect.gather [hbm4b:s5+s14], $0x40, s17, s14, $0xb8;
	v63 =	vld [tilespmem:$0x0]  }
0x30: {  	_ =	swait.ge [sflag:s12], $0x2000  }
0x31: {  	[sflag:s12] =	ssyncset.done $0x0  }
0x32: {  	s17 =	sadd.s32 $0x5000, s17;
	[sflag:s12] =	ssyncadd.s32 $0xFFFFE000  }
0x33: {  	[spmem:s2] =	stream.indirect.scatter.add.f32 [tilespmem:s15], [sflag:$0x1], $0x40, s17, s14, $0xb8;
	v63 =	vld [tilespmem:$0x0]  }
0x34: {  	_ =	swait.ge [sflag:s12], $0x2000  }
0x35: {  	s16 =	sadd.s32 $0x1, s16;
	[sflag:s12] =	ssyncset.done $0x0  }
0x36: {  	p0 =	sne.s32 s16, s10;
	[sflag:s12] =	ssyncadd.s32 $0xFFFFE000  }
.Ltmp1:
0x37: {  	[bflag:$0x0] =	sbarrier.arrive $0xFFFF;
	(pc) =	sbr.rel @p0 .LBB2_1-.Ltmp1, $4  }
0x38: {  	[hbm:s9], [sflag:s6] =	dma.local [spmem:s11], $0x2800  }
0x39: {  	_ =	swait.ge [sflag:s12], $0x2800  }
0x3a: {  	[sflag:s12] =	ssyncset.done $0x0  }
0x3b: {  	[sflag:s12] =	ssyncadd.s32 $0xFFFFD800  }
0x3c: {  	_ =	sfence.sel $0x180000  }
0x3d: {  	[bflag:$0x0] =	sbarrier.arrive $0xFFFF  }
0x3e: {  	p0 =	sne.s32 s3, $0x0;
	_ =	strace $0x90000047  }
0x3f: {  	s0 =	sadd.s32 @!p0 $0x100000, s0;
	[bflag:$0x2] =	sbarrier.arrive $0xFFFF  }
0x40: {  	[sflag:s0] =	ssyncadd.tile.s32 @!p0 $0x1;
	_ =	shalt  }
.Lfunc_end2:
_tile_overlayer_lowered:
.L_overlay_start_2:
0x41: {  	(tag) =	ssettag $0x2  }
0x42: {  	s0 =	rddreg [dreg:$0x0];
	s2 =	stileid.u32  }
0x43: {  	s1 =	rddreg [dreg:$0x1];
	p0 =	sne.s32 s2, $0x0  }
0x44: {  	s3 =	rddreg [dreg:$0x2];
	[bflag:$0x3] =	sbarrier.arrive $0xFFFF;
	s2 =	simm.s32 @!p0 $0x1C01  }
0x45: {  	[timem:s3], [sflag:s2] =	dma.local @!p0 [hbm:s0], s1  }
0x46: {  	s0 =	simm.s32 @!p0 $0x1  }
0x47: {  	_ =	swait.ge @!p0 [sflag:s0], s1  }
0x48: {  	s1 =	ssub.s32 @!p0 $0x0, s1;
	[sflag:s0] =	ssyncset.done @!p0 $0x0  }
0x49: {  	[sflag:s0] =	ssyncadd.s32 @!p0 s1  }
0x4a: {  	[bflag:$0x3] =	sbarrier.arrive $0xFFFF  }
0x4b: {  	_ =	shalt  }

// kernel: kernel.13.cloned.1.call-start
scs
__scs_entry_jumppad:
0x0: {  	(pc) =	sbr.rel $0x88, $3  }
0x1: {  	(tag) =	ssettag $0x0;
	lr =	simm.s32 $0x1  }
0x2: {  	[smem:$0x3F98] =	sst lr;
	_ =	strace $0xD0000000  }
0x3: {  	_ = 	snop  }
0x4: {  	_ = 	snop  }
0x5: {  	_ = 	snop  }
0x6: {  	_ = 	snop  }
0x7: {  	_ = 	snop  }
__scs_overlays_trampoline_lowered:
0x8: {  	[smem:$0x3FA7] =	sst s0  }
0x9: {  	[smem:$0x3FA8] =	sst s1  }
0xa: {  	[smem:$0x3FA9] =	sst s2  }
0xb: {  	[smem:$0x3FAA] =	sst s3  }
0xc: {  	[smem:$0x3FAB] =	sst s4  }
0xd: {  	[smem:$0x3FAC] =	sst s5  }
0xe: {  	[smem:$0x3FAD] =	sst s6  }
0xf: {  	[smem:$0x3FAE] =	sst s7  }
0x10: {  	[smem:$0x3FAF] =	sst s8  }
0x11: {  	[smem:$0x3FB0] =	sst s9;
	s0 =	simm.s32 @!p0 $0x0  }
0x12: {  	s1 =	sld [smem:$0x3F96];
	s0 =	simm.s32 @p0 $0x1  }
0x13: {  	[smem:$0x3FB1] =	sst s0;
	s0 =	simm.s32 @!p1 $0x0  }
0x14: {  	s2 =	sld [smem:$0x3F95];
	s0 =	simm.s32 @p1 $0x1  }
0x15: {  	[smem:$0x3FB2] =	sst s0;
	s0 =	simm.s32 @!p2 $0x0  }
0x16: {  	s3 =	sld [smem:$0x3FDB];
	s0 =	simm.s32 @p2 $0x1  }
0x17: {  	s4 =	simm.s32 $0x1BF5;
	[smem:$0x3FB4] =	sst s0  }
0x18: {  	s0 =	sld [smem:$0x3F97];
	_ =	swait.ge [sflag:s4], $0x0  }
0x19: {  	s7 =	sld [smem:$0x3F98]  }
0x1a: {  	s8 =	sadd.s32 $0xFFFFE003, lr  }
0x1b: {  	s9 =	sadd.s32 $0xFFFFFEF7, lr;
	s5 =	simm.s32 $0xFFFFFFFF;
	p2 =	slt.u32 s8, $0xFFFFF086  }
0x1c: {  	p1 =	slt.u32 s9, $0xF7A;
	s5 =	simm.s32 @!p2 $0x0  }
0x1d: {  	s5 =	simm.s32 @p1 $0x1;
	p0 =	seq.s32 s7, s2  }
0x1e: {  	s7 =	smul.u32 @!p0 $0xF7A, s2;
	p2 =	seq.s32 @!p0 s5, $0x0  }
0x1f: {  	s9 =	smul.u32 $0xF7A, s1;
	s8 =	simm.s32 @!p0 $0x1BF5;
	p2 =	por !p2, p0  }
0x20: {  	[sflag:s8] =	ssyncset.s32 @!p0 $0xFFFFF086;
	s6 =	sadd.s32 @!p0 s3, s7;
	s7 =	simm.s32 @!p0 $0x108  }
0x21: {  	s3 =	sadd.s32 s3, s9;
	s6 =	sadd.s32 @!p0 $0x88, s6;
	s7 =	simm.s32 @p2 $0x1082  }
0x22: {  	[simem:s7], [sflag:s8] =	dma.local @!p0 [hbm:s6], $0xF7A  }
0x23: {  	s9 =	sor.u32 $0xD0000000, s2;
	s6 =	simm.s32 $0x108;
	_ =	swait.ge @!p0 [sflag:s8], $0x0  }
0x24: {  	s3 =	sadd.s32 $0x88, s3;
	s6 =	simm.s32 @!p1 $0x1082;
	[sflag:s4] =	ssyncset.s32 $0xFFFFF086  }
0x25: {  	[simem:s6], [sflag:s4] =	dma.local [hbm:s3], $0xF7A  }
0x26: {  	[smem:$0x3F98] =	sst s1;
	(tag) =	ssettag s2;
	_ =	strace s9  }
0x27: {  	s1 =	sld [smem:$0x3FA8]  }
0x28: {  	s2 =	sld [smem:$0x3FA9]  }
0x29: {  	s4 =	sld [smem:$0x3FAB]  }
0x2a: {  	p0 =	seq.s32 s5, $0x0;
	s5 =	sld [smem:$0x3FAC]  }
0x2b: {  	s6 =	sld [smem:$0x3FAD]  }
0x2c: {  	s7 =	sld [smem:$0x3FAE]  }
0x2d: {  	s3 =	simm.s32 $0x108;
	s8 =	sld [smem:$0x3FAF]  }
0x2e: {  	s3 =	simm.s32 @!p0 $0x1082;
	s9 =	sld [smem:$0x3FB0]  }
0x2f: {  	lr =	sadd.s32 s0, s3;
	s0 =	sld [smem:$0x3FA7]  }
0x30: {  	s3 =	sld [smem:$0x3FAA]  }
0x31: {  	[smem:$0x3FB3] =	sst s10  }
0x32: {  	s10 =	sld [smem:$0x3FB1];
	_ =	sdelay $0x3  }
0x33: {  	p0 =	seq.s32 s10, $0x1;
	s10 =	sld [smem:$0x3FB3];
	_ =	sdelay $0x3  }
0x34: {  	[smem:$0x3FB3] =	sst s10  }
0x35: {  	s10 =	sld [smem:$0x3FB2];
	_ =	sdelay $0x3  }
0x36: {  	p1 =	seq.s32 s10, $0x1;
	s10 =	sld [smem:$0x3FB3];
	_ =	sdelay $0x3  }
0x37: {  	[smem:$0x3FB3] =	sst s10  }
0x38: {  	s10 =	sld [smem:$0x3FB4]  }
0x39: {  	_ = 	snop;
	(pc) =	sbr.ind lr, $3  }
0x3a: {  	_ = 	snop  }
0x3b: {  	_ = 	snop  }
0x3c: {  	p2 =	seq.s32 s10, $0x1;
	s10 =	sld [smem:$0x3FB3]  }
0x3d: {  	_ =	shalt  }
0x3e: {  	_ =	shalt  }
0x3f: {  	_ =	shalt  }
0x40: {  	_ =	shalt  }
0x41: {  	_ =	shalt  }
0x42: {  	_ =	shalt  }
0x43: {  	_ =	shalt  }
0x44: {  	_ =	shalt  }
0x45: {  	_ =	shalt  }
0x46: {  	_ =	shalt  }
0x47: {  	_ =	shalt  }
0x48: {  	_ =	shalt  }
0x49: {  	_ =	shalt  }
0x4a: {  	_ =	shalt  }
0x4b: {  	_ =	shalt  }
0x4c: {  	_ =	shalt  }
0x4d: {  	_ =	shalt  }
0x4e: {  	_ =	shalt  }
0x4f: {  	_ =	shalt  }
0x50: {  	_ =	shalt  }
0x51: {  	_ =	shalt  }
0x52: {  	_ =	shalt  }
0x53: {  	_ =	shalt  }
0x54: {  	_ =	shalt  }
0x55: {  	_ =	shalt  }
0x56: {  	_ =	shalt  }
0x57: {  	_ =	shalt  }
0x58: {  	_ =	shalt  }
0x59: {  	_ =	shalt  }
0x5a: {  	_ =	shalt  }
0x5b: {  	_ =	shalt  }
0x5c: {  	_ =	shalt  }
0x5d: {  	_ =	shalt  }
0x5e: {  	_ =	shalt  }
0x5f: {  	_ =	shalt  }
0x60: {  	_ =	shalt  }
0x61: {  	_ =	shalt  }
0x62: {  	_ =	shalt  }
0x63: {  	_ =	shalt  }
0x64: {  	_ =	shalt  }
0x65: {  	_ =	shalt  }
0x66: {  	_ =	shalt  }
0x67: {  	_ =	shalt  }
0x68: {  	_ =	shalt  }
0x69: {  	_ =	shalt  }
0x6a: {  	_ =	shalt  }
0x6b: {  	_ =	shalt  }
0x6c: {  	_ =	shalt  }
0x6d: {  	_ =	shalt  }
0x6e: {  	_ =	shalt  }
0x6f: {  	_ =	shalt  }
0x70: {  	_ =	shalt  }
0x71: {  	_ =	shalt  }
0x72: {  	_ =	shalt  }
0x73: {  	_ =	shalt  }
0x74: {  	_ =	shalt  }
0x75: {  	_ =	shalt  }
0x76: {  	_ =	shalt  }
0x77: {  	_ =	shalt  }
0x78: {  	_ =	shalt  }
0x79: {  	_ =	shalt  }
0x7a: {  	_ =	shalt  }
0x7b: {  	_ =	shalt  }
0x7c: {  	_ =	shalt  }
0x7d: {  	_ =	shalt  }
0x7e: {  	_ =	shalt  }
0x7f: {  	_ =	shalt  }
0x80: {  	_ =	shalt  }
0x81: {  	_ =	shalt  }
0x82: {  	_ =	shalt  }
0x83: {  	_ =	shalt  }
0x84: {  	_ =	shalt  }
0x85: {  	_ =	shalt  }
0x86: {  	_ =	shalt  }
0x87: {  	_ =	shalt  }
.Lfunc_end0:
.L_simem_size_0:
called_computation.2_lowered:
.L_overlay_start_0:
0x88: {  	s2 =	sld [smem:$0x3FD9]  }
0x89: {  	s3 =	sld [smem:$0x3FFE];
	_ =	sdelay $0x1  }
0x8a: {  	s1 =	srdreg.scid  }
0x8b: {  	s0 =	sand.u32 $0x1, s1  }
0x8c: {  	s14 =	sshll.u32 s0, $0xA;
	s2 =	sadd.s32 s3, s2  }
0x8d: {  	s2 =	sadd.s32 s2, s14  }
0x8e: {  	[smem:$0x3FBF] =	sst s2  }
0x8f: {  	_ = 	snop  }
0x90: {  	s2 =	sld [smem:$0x3FD0];
	_ =	sdelay $0x2  }
0x91: {  	s15 =	simm.s32 $0xB;
	s4 =	simm.s32 $0x10  }
0x92: {  	[smem:s4], [sflag:s15] =	dma.local [hbm:s2], $0x1  }
0x93: {  	_ =	swait.eq [sflag:s15], $0x1  }
0x94: {  	[sflag:s15] =	ssyncset.done $0x0  }
0x95: {  	[sflag:s15] =	ssyncadd.s32 $0xFFFFFFFF  }
0x96: {  	s16 =	sld [smem:$0x10];
	(tm) =	ssettm $0x1  }
0x97: {  	s17 =	sld [smem:$0x3FFB];
	_ =	sdelay $0x3  }
0x98: {  	_ =	strace s17  }
0x99: {  	s3 =	sld [smem:$0x3FFC];
	_ =	sdelay $0x3  }
0x9a: {  	_ =	strace s3  }
0x9b: {  	s3 =	sld [smem:$0x3FFD];
	_ =	sdelay $0x3  }
0x9c: {  	_ =	strace s3  }
0x9d: {  	_ =	strace $0x8FFFFFFF  }
0x9e: {  	s18 =	sld [smem:$0x3FDB];
	_ =	sdelay $0x1  }
0x9f: {  	s19 =	simm.s32 $_scs_section_size  }
0xa0: {  	s5 =	simm.s32 $_size__tile_overlayer_lowered;
	s6 =	simm.s32 $_tile_overlayer_lowered  }
0xa1: {  	s22 =	simm.s32 $0x1BFF;
	s21 =	sshll.u32 s6, $0x1;
	s3 =	sadd.s32 s19, s18  }
0xa2: {  	s7 =	simm.s32 $0x0;
	s20 =	sshll.u32 s5, $0x1;
	s5 =	sadd.s32 s21, s3  }
0xa3: {  	[timem:s7], [sflag:s22] =	dma.local [hbm:s5], s20  }
0xa4: {  	_ =	swait.ge [sflag:s22], s20  }
0xa5: {  	s4 =	ssub.s32 $0x0, s20;
	[sflag:s22] =	ssyncset.done $0x0  }
0xa6: {  	[sflag:s22] =	ssyncadd.s32 s4;
	_ =	sdelay $0x1  }
0xa7: {  	s23 =	simm.s32 $0x1B8B  }
0xa8: {  	_ =	swait.ge [sflag:s23], $0x1  }
0xa9: {  	[sflag:s23] =	ssyncset.done $0x0  }
0xaa: {  	s25 =	simm.s32 $0x1B8E;
	s24 =	sld [smem:$0x3FFE];
	[sflag:s23] =	ssyncadd.s32 $0xFFFFFFFF  }
0xab: {  	s26 =	simm.s32 $execute0_lowered;
	[smem:$0x3FD2] =	sst s25  }
0xac: {  	s5 =	sshll.u32 s26, $0x1;
	_ =	strace $0x8000004C;
	[dreg:$0x1] =	wrdreg $0xFFFFFFFF  }
0xad: {  	s28 =	simm.s32 $_size_execute0_lowered;
	s3 =	sadd.s32 s3, s5;
	[dreg:$0x0] =	wrdreg $0x0  }
0xae: {  	s5 =	sshll.u32 s28, $0x1;
	[dreg:$0x2] =	wrdreg s3  }
0xaf: {  	[dreg:$0x3] =	wrdreg s5  }
0xb0: {  	[dreg:$0x4] =	wrdreg $0xC0  }
0xb1: {  	_ =	task [dreg:s7], $0x5FFFF  }
0xb2: {  	[dreg:$0x1] =	wrdreg $0xFFFFFFFF  }
0xb3: {  	[dreg:$0x0] =	wrdreg $0x60  }
0xb4: {  	[dreg:$0x2] =	wrdreg s24  }
0xb5: {  	[dreg:$0x3] =	wrdreg s16  }
0xb6: {  	[dreg:$0x4] =	wrdreg $0x90000  }
0xb7: {  	[dreg:$0x5] =	wrdreg $0x9  }
0xb8: {  	_ =	task.clear_ibuf [dreg:s7], $0x6FFFF;
	_ =	strace $0x9000004C  }
0xb9: {  	s29 =	simm.s32 $0x9;
	_ =	strace $0x8000004E  }
0xba: {  	_ =	swait.ge [sflag:s29], $0x1  }
0xbb: {  	[sflag:s29] =	ssyncadd.s32 $0xFFFFFFFF  }
0xbc: {  	_ =	strace $0x9000004E  }
0xbd: {  	_ =	sfence  }
0xbe: {  	s30 =	sld [smem:$0x0];
	_ =	sdelay $0x2  }
0xbf: {  	s31 =	sshll.u32 s1, $0xD;
	s1 =	sshrl.u32 s1, $0x2  }
0xc0: {  	s3 =	sand.u32 $0x4000, s31;
	s1 =	sadd.s32 s1, s30  }
0xc1: {  	s0 =	sor.u32 s3, s0;
	s1 =	sshll.u32 s1, $0x11  }
0xc2: {  	s0 =	sor.u32 s1, s0  }
0xc3: {  	s0 =	sadd.s32 $0x8F2B, s0  }
0xc4: {  	[sflag:s0] =	ssyncadd.remote.s32 $0x1  }
0xc5: {  	_ =	sfence.sel $0xFFFF  }
0xc6: {  	[dreg:$0x0] =	wrdreg $0xFFFFFFFF;
	(pc) =	sbr.abs _section_cstart, $3  }
0xc7: {  	[dreg:$0x1] =	wrdreg $0xFFFFFFFF  }
0xc8: {  	_ =	task.clear_ibuf [dreg:s7], $0x2FFFF;
	_ =	strace $0x9FFFFFFF  }
0xc9: {  	(tm) =	ssettm $0x7FFFFFFF  }
tec
execute0_lowered:
.L_overlay_start_1:
0x0: {  	(tag) =	ssettag $0x1  }
0x1: {  	s10 =	rddreg [dreg:$0x0]  }
0x2: {  	s1 =	rddreg [dreg:$0x1]  }
0x3: {  	s3 =	rddreg [dreg:$0x2]  }
0x4: {  	s0 =	rddreg [dreg:$0x3];
	s5 =	srdreg.scid  }
0x5: {  	s4 =	simm.s32 $0x0;
	s2 =	stileid.u32;
	s14 =	simm.s32 $0x80  }
0x6: {  	s9 =	sand.u32 $0x1, s5;
	[smem:$0x7FF] =	sst s4;
	s7 =	sshll.u32 s2, $0x8  }
0x7: {  	s5 =	sadd.s32 $0x6A400, s10;
	s15 =	sshll.u32 s2, $0xD;
	s12 =	sshll.u32 s2, $0x10  }
0x8: {  	s31 =	sshll.u32 s2, $0x6;
	s16 =	sadd.s32 $0x22400, s10;
	s6 =	sshll.u32 s9, $0xC  }
0x9: {  	_ =	strace $0x8000004D;
	s29 =	ssub.s32 $0x2, s9;
	s11 =	sadd.s32 s15, s10  }
0xa: {  	s12 =	sadd.s32 s12, s3;
	p0 =	seq.s32 s9, $0x1;
	s6 =	sor.u32 s7, s6  }
0xb: {  	s30 =	sshrl.u32 s29, $0x1;
	s9 =	sadd.s32 $0x2400, s11;
	s11 =	sshrl.u32 s12, $0x3  }
0xc: {  	s12 =	simm.s32 $0x1;
	s16 =	sadd.s32 @p0 s15, s16;
	s15 =	simm.s32 $0x1000  }
0xd: {  	s8 =	sadd.s32 s6, s10;
	s13 =	ssub.s32 s29, s30;
	s6 =	sor.u32 $0x1C01, s31  }
0xe: {  	s9 =	smov.u32 @p0 s16;
	s16 =	simm.s32 $0x0;
	s7 =	sadd.s32 $0x66400, s8  }
0xf: {  	s8 =	sadd.s32 $0x68400, s8;
	s10 =	smax.u32 s13, $0x1;
	s13 =	simm.s32 $0x800  }
.LBB2_1:
0x10: {  	[spmem:s11], [sflag:s6] =	dma.local [hbm:s1], $0x2000  }
0x11: {  	_ =	swait.ge [sflag:s12], $0x2000  }
0x12: {  	[sflag:s12] =	ssyncset.done $0x0  }
0x13: {  	[sflag:s12] =	ssyncadd.s32 $0xFFFFE000  }
0x14: {  	[tilespmem:s4], [sflag:$0x1] =	stream.linear.gather [hbm4b:s7+s4], $0x800, $0x38;
	[tilespmem:$0x19000] =	vst v63  }
0x15: {  	_ =	swait.ge [sflag:s12], $0x800  }
0x16: {  	[sflag:s12] =	ssyncset.done $0x0  }
0x17: {  	[sflag:s12] =	ssyncadd.s32 $0xFFFFF800  }
0x18: {  	[tilespmem:s13], [sflag:$0x1] =	stream.linear.gather [hbm4b:s8+s4], $0x800, $0x38;
	[tilespmem:$0x19000] =	vst v63  }
0x19: {  	_ =	swait.ge [sflag:s12], $0x800  }
0x1a: {  	[sflag:s12] =	ssyncset.done $0x0  }
0x1b: {  	[sflag:s12] =	ssyncadd.s32 $0xFFFFF800  }
0x1c: {  	s17 =	simm.s32 $0x0;
	[bflag:$0x0] =	sbarrier.arrive $0xFFFF  }
0x1d: {  	[tilespmem:s15], [sflag:$0x1] =	stream.indirect.gather [hbm4b:s5+s14], $0x100, s17, s14, $0xb8;
	[tilespmem:$0x19000] =	vst v63  }
0x1e: {  	_ =	swait.ge [sflag:s12], $0x8000  }
0x1f: {  	[sflag:s12] =	ssyncset.done $0x0  }
0x20: {  	s31 =	simm.s32 $0x800;
	[sflag:s12] =	ssyncadd.s32 $0xFFFF8000  }
0x21: {  	[spmem:s3] =	stream.indirect.scatter.add.f32 [tilespmem:s15], [sflag:$0x1], $0x100, s31, s14, $0xb8;
	[tilespmem:$0x19000] =	vst v63  }
0x22: {  	_ =	swait.ge [sflag:s12], $0x8000  }
0x23: {  	s18 =	simm.s32 $0x400;
	s17 =	simm.s32 $0x200;
	[sflag:s12] =	ssyncset.done $0x0  }
.LBB2_2:
0x24: {  	s19 =	sshra.s32 s17, $0x2  }
0x25: {  	[sflag:s12] =	ssyncadd.s32 $0xFFFF8000;
	s17 =	smov.u32 s18;
	s20 =	sadd.s32 $0x200, s18  }
0x26: {  	[tilespmem:s15], [sflag:$0x1] =	stream.indirect.gather [hbm4b:s5+s14], $0x100, s19, s14, $0xb8;
	[tilespmem:$0x19000] =	vst v63  }
0x27: {  	p0 =	sne.s32 s18, $0x1E00;
	_ =	swait.ge [sflag:s12], $0x8000  }
.Ltmp0:
0x28: {  	[sflag:s12] =	ssyncset.done $0x0;
	(pc) =	sbr.rel @p0 .LBB2_2-.Ltmp0, $4  }
0x29: {  	s18 =	sadd.s32 $0x800, s19;
	[sflag:s12] =	ssyncadd.s32 $0xFFFF8000  }
0x2a: {  	[spmem:s3] =	stream.indirect.scatter.add.f32 [tilespmem:s15], [sflag:$0x1], $0x100, s18, s14, $0xb8;
	[tilespmem:$0x19000] =	vst v63  }
0x2b: {  	_ =	swait.ge [sflag:s12], $0x8000  }
0x2c: {  	s18 =	smov.u32 s20;
	[sflag:s12] =	ssyncset.done $0x0  }
0x2d: {  	s17 =	sshra.s32 s17, $0x2;
	[sflag:s12] =	ssyncadd.s32 $0xFFFF8000  }
0x2e: {  	[tilespmem:s15], [sflag:$0x1] =	stream.indirect.gather [hbm4b:s5+s14], $0x100, s17, s14, $0xb8;
	[tilespmem:$0x19000] =	vst v63  }
0x2f: {  	_ =	swait.ge [sflag:s12], $0x8000  }
0x30: {  	[sflag:s12] =	ssyncset.done $0x0  }
0x31: {  	s17 =	sadd.s32 $0x800, s17;
	[sflag:s12] =	ssyncadd.s32 $0xFFFF8000  }
0x32: {  	[spmem:s3] =	stream.indirect.scatter.add.f32 [tilespmem:s15], [sflag:$0x1], $0x100, s17, s14, $0xb8;
	[tilespmem:$0x19000] =	vst v63  }
0x33: {  	_ =	swait.ge [sflag:s12], $0x8000  }
0x34: {  	s16 =	sadd.s32 $0x1, s16;
	[sflag:s12] =	ssyncset.done $0x0  }
0x35: {  	p0 =	sne.s32 s16, s10;
	[sflag:s12] =	ssyncadd.s32 $0xFFFF8000  }
.Ltmp1:
0x36: {  	[bflag:$0x0] =	sbarrier.arrive $0xFFFF;
	(pc) =	sbr.rel @p0 .LBB2_1-.Ltmp1, $4  }
0x37: {  	[hbm:s9], [sflag:s6] =	dma.local [spmem:s11], $0x2000  }
0x38: {  	_ =	swait.ge [sflag:s12], $0x2000  }
0x39: {  	[sflag:s12] =	ssyncset.done $0x0  }
0x3a: {  	[sflag:s12] =	ssyncadd.s32 $0xFFFFE000  }
0x3b: {  	_ =	sfence.sel $0x180000  }
0x3c: {  	[bflag:$0x0] =	sbarrier.arrive $0xFFFF  }
0x3d: {  	p0 =	sne.s32 s2, $0x0;
	_ =	strace $0x9000004D  }
0x3e: {  	s0 =	sadd.s32 @!p0 $0x100000, s0;
	[bflag:$0x2] =	sbarrier.arrive $0xFFFF  }
0x3f: {  	[sflag:s0] =	ssyncadd.tile.s32 @!p0 $0x1;
	_ =	shalt  }
.Lfunc_end2:
_tile_overlayer_lowered:
.L_overlay_start_2:
0x40: {  	(tag) =	ssettag $0x2  }
0x41: {  	s0 =	rddreg [dreg:$0x0];
	s2 =	stileid.u32  }
0x42: {  	s1 =	rddreg [dreg:$0x1];
	p0 =	sne.s32 s2, $0x0  }
0x43: {  	s3 =	rddreg [dreg:$0x2];
	[bflag:$0x3] =	sbarrier.arrive $0xFFFF;
	s2 =	simm.s32 @!p0 $0x1C01  }
0x44: {  	[timem:s3], [sflag:s2] =	dma.local @!p0 [hbm:s0], s1  }
0x45: {  	s0 =	simm.s32 @!p0 $0x1  }
0x46: {  	_ =	swait.ge @!p0 [sflag:s0], s1  }
0x47: {  	s1 =	ssub.s32 @!p0 $0x0, s1;
	[sflag:s0] =	ssyncset.done @!p0 $0x0  }
0x48: {  	[sflag:s0] =	ssyncadd.s32 @!p0 s1  }
0x49: {  	[bflag:$0x3] =	sbarrier.arrive $0xFFFF  }
0x4a: {  	_ =	shalt  }

// kernel: kernel.7.cloned.1.call-start
scs
__scs_entry_jumppad:
0x0: {  	(pc) =	sbr.rel $0x88, $3  }
0x1: {  	(tag) =	ssettag $0x0;
	lr =	simm.s32 $0x1  }
0x2: {  	[smem:$0x3F98] =	sst lr;
	_ =	strace $0xD0000000  }
0x3: {  	_ = 	snop  }
0x4: {  	_ = 	snop  }
0x5: {  	_ = 	snop  }
0x6: {  	_ = 	snop  }
0x7: {  	_ = 	snop  }
__scs_overlays_trampoline_lowered:
0x8: {  	[smem:$0x3FA7] =	sst s0  }
0x9: {  	[smem:$0x3FA8] =	sst s1  }
0xa: {  	[smem:$0x3FA9] =	sst s2  }
0xb: {  	[smem:$0x3FAA] =	sst s3  }
0xc: {  	[smem:$0x3FAB] =	sst s4  }
0xd: {  	[smem:$0x3FAC] =	sst s5  }
0xe: {  	[smem:$0x3FAD] =	sst s6  }
0xf: {  	[smem:$0x3FAE] =	sst s7  }
0x10: {  	[smem:$0x3FAF] =	sst s8  }
0x11: {  	[smem:$0x3FB0] =	sst s9;
	s0 =	simm.s32 @!p0 $0x0  }
0x12: {  	s1 =	sld [smem:$0x3F96];
	s0 =	simm.s32 @p0 $0x1  }
0x13: {  	[smem:$0x3FB1] =	sst s0;
	s0 =	simm.s32 @!p1 $0x0  }
0x14: {  	s2 =	sld [smem:$0x3F95];
	s0 =	simm.s32 @p1 $0x1  }
0x15: {  	[smem:$0x3FB2] =	sst s0;
	s0 =	simm.s32 @!p2 $0x0  }
0x16: {  	s3 =	sld [smem:$0x3FDB];
	s0 =	simm.s32 @p2 $0x1  }
0x17: {  	s4 =	simm.s32 $0x1BF5;
	[smem:$0x3FB4] =	sst s0  }
0x18: {  	s0 =	sld [smem:$0x3F97];
	_ =	swait.ge [sflag:s4], $0x0  }
0x19: {  	s7 =	sld [smem:$0x3F98]  }
0x1a: {  	s8 =	sadd.s32 $0xFFFFE003, lr  }
0x1b: {  	s9 =	sadd.s32 $0xFFFFFEF7, lr;
	s5 =	simm.s32 $0xFFFFFFFF;
	p2 =	slt.u32 s8, $0xFFFFF086  }
0x1c: {  	p1 =	slt.u32 s9, $0xF7A;
	s5 =	simm.s32 @!p2 $0x0  }
0x1d: {  	s5 =	simm.s32 @p1 $0x1;
	p0 =	seq.s32 s7, s2  }
0x1e: {  	s7 =	smul.u32 @!p0 $0xF7A, s2;
	p2 =	seq.s32 @!p0 s5, $0x0  }
0x1f: {  	s9 =	smul.u32 $0xF7A, s1;
	s8 =	simm.s32 @!p0 $0x1BF5;
	p2 =	por !p2, p0  }
0x20: {  	[sflag:s8] =	ssyncset.s32 @!p0 $0xFFFFF086;
	s6 =	sadd.s32 @!p0 s3, s7;
	s7 =	simm.s32 @!p0 $0x108  }
0x21: {  	s3 =	sadd.s32 s3, s9;
	s6 =	sadd.s32 @!p0 $0x88, s6;
	s7 =	simm.s32 @p2 $0x1082  }
0x22: {  	[simem:s7], [sflag:s8] =	dma.local @!p0 [hbm:s6], $0xF7A  }
0x23: {  	s9 =	sor.u32 $0xD0000000, s2;
	s6 =	simm.s32 $0x108;
	_ =	swait.ge @!p0 [sflag:s8], $0x0  }
0x24: {  	s3 =	sadd.s32 $0x88, s3;
	s6 =	simm.s32 @!p1 $0x1082;
	[sflag:s4] =	ssyncset.s32 $0xFFFFF086  }
0x25: {  	[simem:s6], [sflag:s4] =	dma.local [hbm:s3], $0xF7A  }
0x26: {  	[smem:$0x3F98] =	sst s1;
	(tag) =	ssettag s2;
	_ =	strace s9  }
0x27: {  	s1 =	sld [smem:$0x3FA8]  }
0x28: {  	s2 =	sld [smem:$0x3FA9]  }
0x29: {  	s4 =	sld [smem:$0x3FAB]  }
0x2a: {  	p0 =	seq.s32 s5, $0x0;
	s5 =	sld [smem:$0x3FAC]  }
0x2b: {  	s6 =	sld [smem:$0x3FAD]  }
0x2c: {  	s7 =	sld [smem:$0x3FAE]  }
0x2d: {  	s3 =	simm.s32 $0x108;
	s8 =	sld [smem:$0x3FAF]  }
0x2e: {  	s3 =	simm.s32 @!p0 $0x1082;
	s9 =	sld [smem:$0x3FB0]  }
0x2f: {  	lr =	sadd.s32 s0, s3;
	s0 =	sld [smem:$0x3FA7]  }
0x30: {  	s3 =	sld [smem:$0x3FAA]  }
0x31: {  	[smem:$0x3FB3] =	sst s10  }
0x32: {  	s10 =	sld [smem:$0x3FB1];
	_ =	sdelay $0x3  }
0x33: {  	p0 =	seq.s32 s10, $0x1;
	s10 =	sld [smem:$0x3FB3];
	_ =	sdelay $0x3  }
0x34: {  	[smem:$0x3FB3] =	sst s10  }
0x35: {  	s10 =	sld [smem:$0x3FB2];
	_ =	sdelay $0x3  }
0x36: {  	p1 =	seq.s32 s10, $0x1;
	s10 =	sld [smem:$0x3FB3];
	_ =	sdelay $0x3  }
0x37: {  	[smem:$0x3FB3] =	sst s10  }
0x38: {  	s10 =	sld [smem:$0x3FB4]  }
0x39: {  	_ = 	snop;
	(pc) =	sbr.ind lr, $3  }
0x3a: {  	_ = 	snop  }
0x3b: {  	_ = 	snop  }
0x3c: {  	p2 =	seq.s32 s10, $0x1;
	s10 =	sld [smem:$0x3FB3]  }
0x3d: {  	_ =	shalt  }
0x3e: {  	_ =	shalt  }
0x3f: {  	_ =	shalt  }
0x40: {  	_ =	shalt  }
0x41: {  	_ =	shalt  }
0x42: {  	_ =	shalt  }
0x43: {  	_ =	shalt  }
0x44: {  	_ =	shalt  }
0x45: {  	_ =	shalt  }
0x46: {  	_ =	shalt  }
0x47: {  	_ =	shalt  }
0x48: {  	_ =	shalt  }
0x49: {  	_ =	shalt  }
0x4a: {  	_ =	shalt  }
0x4b: {  	_ =	shalt  }
0x4c: {  	_ =	shalt  }
0x4d: {  	_ =	shalt  }
0x4e: {  	_ =	shalt  }
0x4f: {  	_ =	shalt  }
0x50: {  	_ =	shalt  }
0x51: {  	_ =	shalt  }
0x52: {  	_ =	shalt  }
0x53: {  	_ =	shalt  }
0x54: {  	_ =	shalt  }
0x55: {  	_ =	shalt  }
0x56: {  	_ =	shalt  }
0x57: {  	_ =	shalt  }
0x58: {  	_ =	shalt  }
0x59: {  	_ =	shalt  }
0x5a: {  	_ =	shalt  }
0x5b: {  	_ =	shalt  }
0x5c: {  	_ =	shalt  }
0x5d: {  	_ =	shalt  }
0x5e: {  	_ =	shalt  }
0x5f: {  	_ =	shalt  }
0x60: {  	_ =	shalt  }
0x61: {  	_ =	shalt  }
0x62: {  	_ =	shalt  }
0x63: {  	_ =	shalt  }
0x64: {  	_ =	shalt  }
0x65: {  	_ =	shalt  }
0x66: {  	_ =	shalt  }
0x67: {  	_ =	shalt  }
0x68: {  	_ =	shalt  }
0x69: {  	_ =	shalt  }
0x6a: {  	_ =	shalt  }
0x6b: {  	_ =	shalt  }
0x6c: {  	_ =	shalt  }
0x6d: {  	_ =	shalt  }
0x6e: {  	_ =	shalt  }
0x6f: {  	_ =	shalt  }
0x70: {  	_ =	shalt  }
0x71: {  	_ =	shalt  }
0x72: {  	_ =	shalt  }
0x73: {  	_ =	shalt  }
0x74: {  	_ =	shalt  }
0x75: {  	_ =	shalt  }
0x76: {  	_ =	shalt  }
0x77: {  	_ =	shalt  }
0x78: {  	_ =	shalt  }
0x79: {  	_ =	shalt  }
0x7a: {  	_ =	shalt  }
0x7b: {  	_ =	shalt  }
0x7c: {  	_ =	shalt  }
0x7d: {  	_ =	shalt  }
0x7e: {  	_ =	shalt  }
0x7f: {  	_ =	shalt  }
0x80: {  	_ =	shalt  }
0x81: {  	_ =	shalt  }
0x82: {  	_ =	shalt  }
0x83: {  	_ =	shalt  }
0x84: {  	_ =	shalt  }
0x85: {  	_ =	shalt  }
0x86: {  	_ =	shalt  }
0x87: {  	_ =	shalt  }
.Lfunc_end0:
.L_simem_size_0:
called_computation_lowered:
.L_overlay_start_0:
0x88: {  	s2 =	sld [smem:$0x3FD9]  }
0x89: {  	s3 =	sld [smem:$0x3FFE];
	_ =	sdelay $0x1  }
0x8a: {  	s1 =	srdreg.scid  }
0x8b: {  	s0 =	sand.u32 $0x1, s1  }
0x8c: {  	s15 =	sshll.u32 s0, $0xA;
	s2 =	sadd.s32 s3, s2  }
0x8d: {  	s2 =	sadd.s32 s2, s15  }
0x8e: {  	[smem:$0x3FBF] =	sst s2  }
0x8f: {  	_ = 	snop  }
0x90: {  	s2 =	sld [smem:$0x3FD0];
	_ =	sdelay $0x2  }
0x91: {  	s16 =	simm.s32 $0xB;
	s4 =	simm.s32 $0x10  }
0x92: {  	[smem:s4], [sflag:s16] =	dma.local [hbm:s2], $0x1  }
0x93: {  	_ =	swait.eq [sflag:s16], $0x1  }
0x94: {  	[sflag:s16] =	ssyncset.done $0x0  }
0x95: {  	[sflag:s16] =	ssyncadd.s32 $0xFFFFFFFF  }
0x96: {  	s17 =	sld [smem:$0x11];
	(tm) =	ssettm $0x1  }
0x97: {  	s18 =	sld [smem:$0x3FFB];
	_ =	sdelay $0x3  }
0x98: {  	_ =	strace s18  }
0x99: {  	s2 =	sld [smem:$0x3FFC];
	_ =	sdelay $0x3  }
0x9a: {  	_ =	strace s2  }
0x9b: {  	s2 =	sld [smem:$0x3FFD];
	_ =	sdelay $0x3  }
0x9c: {  	_ =	strace s2  }
0x9d: {  	_ =	strace $0x8FFFFFFF  }
0x9e: {  	s19 =	sld [smem:$0x3FDB];
	_ =	sdelay $0x1  }
0x9f: {  	s20 =	simm.s32 $_scs_section_size  }
0xa0: {  	s5 =	simm.s32 $_size__tile_overlayer_lowered;
	s6 =	simm.s32 $_tile_overlayer_lowered  }
0xa1: {  	s7 =	simm.s32 $0x1BFF;
	s21 =	sshll.u32 s6, $0x1;
	s4 =	sadd.s32 s20, s19  }
0xa2: {  	s22 =	simm.s32 $0x0;
	s5 =	sshll.u32 s5, $0x1;
	s6 =	sadd.s32 s21, s4  }
0xa3: {  	[timem:s22], [sflag:s7] =	dma.local [hbm:s6], s5  }
0xa4: {  	_ =	swait.ge [sflag:s7], s5  }
0xa5: {  	s5 =	ssub.s32 $0x0, s5;
	[sflag:s7] =	ssyncset.done $0x0  }
0xa6: {  	[sflag:s7] =	ssyncadd.s32 s5;
	_ =	sdelay $0x1  }
0xa7: {  	s23 =	simm.s32 $0x1B8B  }
0xa8: {  	_ =	swait.ge [sflag:s23], $0x1  }
0xa9: {  	[sflag:s23] =	ssyncset.done $0x0  }
0xaa: {  	[sflag:s23] =	ssyncadd.s32 $0xFFFFFFFF  }
0xab: {  	s5 =	sld [smem:$0x0]  }
0xac: {  	s6 =	sand.u32 $0xFFFFFFFE, s1  }
0xad: {  	p0 =	sne.s32 s1, s6  }
0xae: {  	s6 =	sshll.u32 @p0 s6, $0xE  }
0xaf: {  	s6 =	sadd.s32 @p0 $0x11B8D, s6;
	s7 =	sshll.u32 @p0 s5, $0x11  }
0xb0: {  	s6 =	sor.u32 @p0 s7, s6  }
0xb1: {  	[sflag:s6] =	ssyncadd.remote.s32 @p0 $0x1;
	_ =	sdelay $0x1  }
0xb2: {  	s6 =	simm.s32 @p0 $0x1B8D  }
0xb3: {  	_ =	swait.eq @p0 [sflag:s6], $0x1  }
0xb4: {  	[sflag:s6] =	ssyncadd.s32 @p0 $0xFFFFFFFF  }
0xb5: {  	s7 =	sshll.u32 @!p0 s1, $0xE  }
0xb6: {  	s7 =	sor.u32 @!p0 $0x4000, s7;
	s6 =	simm.s32 @!p0 $0x1B8D  }
0xb7: {  	s5 =	sshll.u32 @!p0 s5, $0x11;
	s7 =	sadd.s32 @!p0 $0x11B8D, s7;
	_ =	swait.eq @!p0 [sflag:s6], $0x1  }
0xb8: {  	s5 =	sor.u32 @!p0 s5, s7;
	[sflag:s6] =	ssyncadd.s32 @!p0 $0xFFFFFFFF  }
0xb9: {  	s25 =	simm.s32 $0x1B8E;
	s24 =	sld [smem:$0x3FFE];
	[sflag:s5] =	ssyncadd.remote.s32 @!p0 $0x1  }
0xba: {  	s26 =	simm.s32 $execute0_lowered;
	[smem:$0x3FD2] =	sst s25  }
0xbb: {  	s6 =	sshll.u32 s26, $0x1;
	_ =	strace $0x80000049;
	[dreg:$0x1] =	wrdreg $0xFFFFFFFF  }
0xbc: {  	s28 =	simm.s32 $_size_execute0_lowered;
	s4 =	sadd.s32 s4, s6;
	[dreg:$0x0] =	wrdreg $0x0  }
0xbd: {  	s6 =	sshll.u32 s28, $0x1;
	[dreg:$0x2] =	wrdreg s4  }
0xbe: {  	[dreg:$0x3] =	wrdreg s6  }
0xbf: {  	[dreg:$0x4] =	wrdreg $0xC0  }
0xc0: {  	_ =	task [dreg:s22], $0x5FFFF  }
0xc1: {  	[dreg:$0x1] =	wrdreg $0xFFFFFFFF  }
0xc2: {  	[dreg:$0x0] =	wrdreg $0x60  }
0xc3: {  	[dreg:$0x2] =	wrdreg s24  }
0xc4: {  	[dreg:$0x3] =	wrdreg s17  }
0xc5: {  	[dreg:$0x4] =	wrdreg $0x38000  }
0xc6: {  	[dreg:$0x5] =	wrdreg $0x88000  }
0xc7: {  	[dreg:$0x6] =	wrdreg $0x9  }
0xc8: {  	_ =	task.clear_ibuf [dreg:s22], $0x7FFFF;
	_ =	strace $0x90000049  }
0xc9: {  	s29 =	simm.s32 $0x9;
	_ =	strace $0x8000004B  }
0xca: {  	_ =	swait.ge [sflag:s29], $0x1  }
0xcb: {  	[sflag:s29] =	ssyncadd.s32 $0xFFFFFFFF  }
0xcc: {  	_ =	strace $0x9000004B  }
0xcd: {  	_ =	sfence  }
0xce: {  	s30 =	sld [smem:$0x0];
	_ =	sdelay $0x2  }
0xcf: {  	s31 =	sshll.u32 s1, $0xD;
	s1 =	sshrl.u32 s1, $0x2  }
0xd0: {  	s4 =	sand.u32 $0x4000, s31;
	s1 =	sadd.s32 s1, s30  }
0xd1: {  	s0 =	sor.u32 s4, s0;
	s1 =	sshll.u32 s1, $0x11  }
0xd2: {  	s0 =	sor.u32 s1, s0  }
0xd3: {  	s0 =	sadd.s32 $0x8F2B, s0  }
0xd4: {  	[sflag:s0] =	ssyncadd.remote.s32 $0x1  }
0xd5: {  	_ =	sfence.sel $0xFFFF  }
0xd6: {  	[dreg:$0x0] =	wrdreg $0xFFFFFFFF;
	(pc) =	sbr.abs _section_cstart, $3  }
0xd7: {  	[dreg:$0x1] =	wrdreg $0xFFFFFFFF  }
0xd8: {  	_ =	task.clear_ibuf [dreg:s22], $0x2FFFF;
	_ =	strace $0x9FFFFFFF  }
0xd9: {  	(tm) =	ssettm $0x7FFFFFFF  }
tec
execute0_lowered:
.L_overlay_start_1:
0x0: {  	(tag) =	ssettag $0x1  }
0x1: {  	s0 =	rddreg [dreg:$0x0]  }
0x2: {  	s3 =	rddreg [dreg:$0x1]  }
0x3: {  	s1 =	rddreg [dreg:$0x2]  }
0x4: {  	s2 =	rddreg [dreg:$0x3];
	s4 =	srdreg.scid  }
0x5: {  	s18 =	stileid.u32;
	s19 =	simm.s32 $0x3000;
	s20 =	simm.s32 $0x80  }
0x6: {  	s30 =	simm.s32 $0x2C00;
	s31 =	simm.s32 $0x2C80;
	s24 =	simm.s32 $0x2F00  }
0x7: {  	s25 =	simm.s32 $0x2F80;
	s26 =	simm.s32 $0x0;
	s12 =	sand.u32 $0x1, s4  }
0x8: {  	s4 =	simm.s32 $0x0;
	s6 =	smul.u32 $0x500, s18;
	s28 =	sshll.u32 s18, $0x8  }
0x9: {  	s8 =	smul.u32 $0x5000, s18;
	s7 =	sadd.s32 $0x6B000, s0;
	s29 =	sshll.u32 s18, $0x6  }
0xa: {  	s15 =	sshll.u32 s18, $0xC;
	s23 =	sshll.u32 s18, $0x9;
	s18 =	simm.s32 $0x2800  }
0xb: {  	s5 =	smul.u32 $0x5000, s12;
	[smem:$0x7FF] =	sst s4;
	s11 =	sadd.s32 s28, s0  }
0xc: {  	s9 =	ssub.s32 $0x2, s12;
	s16 =	sshll.u32 s12, $0xC;
	s17 =	sadd.s32 s15, s2  }
0xd: {  	p0 =	seq.s32 s12, $0x1;
	_ =	strace $0x8000004A;
	s21 =	sshrl.u32 s8, $0x3  }
0xe: {  	s14 =	sshrl.u32 s9, $0x1;
	s8 =	sadd.s32 s8, s1;
	s11 =	sadd.s32 s16, s11  }
0xf: {  	s16 =	simm.s32 $0x1;
	s17 =	sshrl.u32 s17, $0x3;
	s5 =	sadd.s32 s6, s5  }
0x10: {  	s6 =	sadd.s32 $0x6AE00, s0;
	s13 =	sadd.s32 s21, s0;
	s14 =	ssub.s32 s9, s14  }
0x11: {  	s9 =	sor.u32 $0x1C01, s29;
	s11 =	sadd.s32 $0x68400, s11;
	s15 =	sshrl.u32 s8, $0x3  }
0x12: {  	s10 =	sadd.s32 s5, s0;
	s5 =	sadd.s32 $0x6A400, s0;
	s12 =	sadd.s32 $0x6B200, s13  }
0x13: {  	s13 =	sadd.s32 s3, s23;
	s0 =	sadd.s32 $0x75200, s0;
	s3 =	sadd.s32 $0x2000, s3  }
0x14: {  	s14 =	smax.u32 s14, $0x1;
	s10 =	sadd.s32 $0x5C400, s10;
	s22 =	sadd.s32 @p0 s21, s0  }
0x15: {  	s0 =	sadd.s32 @p0 s23, s3;
	s3 =	simm.s32 $0x2D80;
	s21 =	simm.s32 $0x2E00  }
0x16: {  	s23 =	simm.s32 $0x2E80;
	s13 =	smov.u32 @p0 s0;
	s0 =	simm.s32 $0x2D00  }
.LBB2_1:
0x17: {  	[spmem:s15], [sflag:s9] =	dma.local [hbm:s5], $0xA00  }
0x18: {  	_ =	swait.ge [sflag:s16], $0xA00  }
0x19: {  	[sflag:s16] =	ssyncset.done $0x0  }
0x1a: {  	[sflag:s16] =	ssyncadd.s32 $0xFFFFF600  }
0x1b: {  	[spmem:s17], [sflag:s9] =	dma.local [hbm:s6], $0x200  }
0x1c: {  	_ =	swait.ge [sflag:s16], $0x200  }
0x1d: {  	[sflag:s16] =	ssyncset.done $0x0  }
0x1e: {  	[sflag:s16] =	ssyncadd.s32 $0xFFFFFE00  }
0x1f: {  	[tilespmem:s4], [sflag:$0x1] =	stream.linear.gather [hbm4b:s10+s4], $0x2800, $0x38;
	[tilespmem:$0x9800] =	vst v63  }
0x20: {  	_ =	swait.ge [sflag:s16], $0x2800  }
0x21: {  	[sflag:s16] =	ssyncset.done $0x0  }
0x22: {  	[sflag:s16] =	ssyncadd.s32 $0xFFFFD800  }
0x23: {  	[tilespmem:s18], [sflag:$0x1] =	stream.linear.gather [hbm4b:s11+s4], $0x800, $0x38;
	[tilespmem:$0x9800] =	vst v63  }
0x24: {  	_ =	swait.ge [sflag:s16], $0x800  }
0x25: {  	[sflag:s16] =	ssyncset.done $0x0  }
0x26: {  	[sflag:s16] =	ssyncadd.s32 $0xFFFFF800  }
0x27: {  	[tilespmem:s19], [sflag:$0x1] =	stream.linear.gather [hbm4b:s7+s4], $0x800, $0x38;
	[tilespmem:$0x9800] =	vst v63  }
0x28: {  	_ =	swait.ge [sflag:s16], $0x800  }
0x29: {  	[sflag:s16] =	ssyncset.done $0x0  }
0x2a: {  	[sflag:s16] =	ssyncadd.s32 $0xFFFFF800  }
0x2b: {  	s28 =	simm.s32 $0x0;
	[bflag:$0x0] =	sbarrier.arrive $0xFFFF  }
0x2c: {  	[spmem:s1] =	stream.indirect.scatter.add.f32 [tilespmem:s19], [sflag:$0x1], $0x10, s28, s20, $0xb8;
	[tilespmem:$0x9800] =	vst v63  }
0x2d: {  	_ =	swait.ge [sflag:s16], $0x800  }
0x2e: {  	s28 =	simm.s32 $0x200;
	[sflag:s16] =	ssyncset.done $0x0  }
.LBB2_2:
0x2f: {  	s29 =	sshra.s32 s28, $0x2;
	[sflag:s16] =	ssyncadd.s32 $0xFFFFF800;
	p1 =	sne.s32 s28, $0x9E00  }
0x30: {  	[spmem:s1] =	stream.indirect.scatter.add.f32 [tilespmem:s19], [sflag:$0x1], $0x10, s29, s20, $0xb8;
	[tilespmem:$0x9800] =	vst v63  }
.Ltmp0:
0x31: {  	_ = 	snop;
	(pc) =	sbr.rel @p1 .LBB2_2-.Ltmp0, $4  }
0x32: {  	_ = 	snop  }
0x33: {  	s28 =	sadd.s32 $0x200, s28  }
0x34: {  	_ =	swait.ge [sflag:s16], $0x800  }
0x35: {  	[sflag:s16] =	ssyncset.done $0x0  }
0x36: {  	[sflag:s16] =	ssyncadd.s32 $0xFFFFF800  }
0x37: {  	[spmem:s2] =	stream.indirect.scatter.add.f32 [tilespmem:s19], [sflag:$0x1], $0x10, s18, s20, $0xb8;
	[tilespmem:$0x9800] =	vst v63  }
0x38: {  	_ =	swait.ge [sflag:s16], $0x800  }
0x39: {  	[sflag:s16] =	ssyncset.done $0x0  }
0x3a: {  	s28 =	simm.s32 $0x2880;
	[sflag:s16] =	ssyncadd.s32 $0xFFFFF800  }
0x3b: {  	[spmem:s2] =	stream.indirect.scatter.add.f32 [tilespmem:s19], [sflag:$0x1], $0x10, s28, s20, $0xb8;
	[tilespmem:$0x9800] =	vst v63  }
0x3c: {  	_ =	swait.ge [sflag:s16], $0x800  }
0x3d: {  	[sflag:s16] =	ssyncset.done $0x0  }
0x3e: {  	s29 =	simm.s32 $0x2900;
	[sflag:s16] =	ssyncadd.s32 $0xFFFFF800  }
0x3f: {  	[spmem:s2] =	stream.indirect.scatter.add.f32 [tilespmem:s19], [sflag:$0x1], $0x10, s29, s20, $0xb8;
	[tilespmem:$0x9800] =	vst v63  }
0x40: {  	_ =	swait.ge [sflag:s16], $0x800  }
0x41: {  	[sflag:s16] =	ssyncset.done $0x0  }
0x42: {  	s29 =	simm.s32 $0x2980;
	[sflag:s16] =	ssyncadd.s32 $0xFFFFF800  }
0x43: {  	[spmem:s2] =	stream.indirect.scatter.add.f32 [tilespmem:s19], [sflag:$0x1], $0x10, s29, s20, $0xb8;
	[tilespmem:$0x9800] =	vst v63  }
0x44: {  	_ =	swait.ge [sflag:s16], $0x800  }
0x45: {  	[sflag:s16] =	ssyncset.done $0x0  }
0x46: {  	s29 =	simm.s32 $0x2A00;
	[sflag:s16] =	ssyncadd.s32 $0xFFFFF800  }
0x47: {  	[spmem:s2] =	stream.indirect.scatter.add.f32 [tilespmem:s19], [sflag:$0x1], $0x10, s29, s20, $0xb8;
	[tilespmem:$0x9800] =	vst v63  }
0x48: {  	_ =	swait.ge [sflag:s16], $0x800  }
0x49: {  	[sflag:s16] =	ssyncset.done $0x0  }
0x4a: {  	s29 =	simm.s32 $0x2A80;
	[sflag:s16] =	ssyncadd.s32 $0xFFFFF800  }
0x4b: {  	[spmem:s2] =	stream.indirect.scatter.add.f32 [tilespmem:s19], [sflag:$0x1], $0x10, s29, s20, $0xb8;
	[tilespmem:$0x9800] =	vst v63  }
0x4c: {  	_ =	swait.ge [sflag:s16], $0x800  }
0x4d: {  	[sflag:s16] =	ssyncset.done $0x0  }
0x4e: {  	s29 =	simm.s32 $0x2B00;
	[sflag:s16] =	ssyncadd.s32 $0xFFFFF800  }
0x4f: {  	[spmem:s2] =	stream.indirect.scatter.add.f32 [tilespmem:s19], [sflag:$0x1], $0x10, s29, s20, $0xb8;
	[tilespmem:$0x9800] =	vst v63  }
0x50: {  	_ =	swait.ge [sflag:s16], $0x800  }
0x51: {  	[sflag:s16] =	ssyncset.done $0x0  }
0x52: {  	s29 =	simm.s32 $0x2B80;
	[sflag:s16] =	ssyncadd.s32 $0xFFFFF800  }
0x53: {  	[spmem:s2] =	stream.indirect.scatter.add.f32 [tilespmem:s19], [sflag:$0x1], $0x10, s29, s20, $0xb8;
	[tilespmem:$0x9800] =	vst v63  }
0x54: {  	_ =	swait.ge [sflag:s16], $0x800  }
0x55: {  	[sflag:s16] =	ssyncset.done $0x0  }
0x56: {  	[sflag:s16] =	ssyncadd.s32 $0xFFFFF800  }
0x57: {  	[spmem:s2] =	stream.indirect.scatter.add.f32 [tilespmem:s19], [sflag:$0x1], $0x10, s30, s20, $0xb8;
	[tilespmem:$0x9800] =	vst v63  }
0x58: {  	_ =	swait.ge [sflag:s16], $0x800  }
0x59: {  	[sflag:s16] =	ssyncset.done $0x0  }
0x5a: {  	[sflag:s16] =	ssyncadd.s32 $0xFFFFF800  }
0x5b: {  	[spmem:s2] =	stream.indirect.scatter.add.f32 [tilespmem:s19], [sflag:$0x1], $0x10, s31, s20, $0xb8;
	[tilespmem:$0x9800] =	vst v63  }
0x5c: {  	_ =	swait.ge [sflag:s16], $0x800  }
0x5d: {  	[sflag:s16] =	ssyncset.done $0x0  }
0x5e: {  	[sflag:s16] =	ssyncadd.s32 $0xFFFFF800  }
0x5f: {  	[spmem:s2] =	stream.indirect.scatter.add.f32 [tilespmem:s19], [sflag:$0x1], $0x10, s0, s20, $0xb8;
	[tilespmem:$0x9800] =	vst v63  }
0x60: {  	_ =	swait.ge [sflag:s16], $0x800  }
0x61: {  	[sflag:s16] =	ssyncset.done $0x0  }
0x62: {  	[sflag:s16] =	ssyncadd.s32 $0xFFFFF800  }
0x63: {  	[spmem:s2] =	stream.indirect.scatter.add.f32 [tilespmem:s19], [sflag:$0x1], $0x10, s3, s20, $0xb8;
	[tilespmem:$0x9800] =	vst v63  }
0x64: {  	_ =	swait.ge [sflag:s16], $0x800  }
0x65: {  	[sflag:s16] =	ssyncset.done $0x0  }
0x66: {  	[sflag:s16] =	ssyncadd.s32 $0xFFFFF800  }
0x67: {  	[spmem:s2] =	stream.indirect.scatter.add.f32 [tilespmem:s19], [sflag:$0x1], $0x10, s21, s20, $0xb8;
	[tilespmem:$0x9800] =	vst v63  }
0x68: {  	_ =	swait.ge [sflag:s16], $0x800  }
0x69: {  	[sflag:s16] =	ssyncset.done $0x0  }
0x6a: {  	[sflag:s16] =	ssyncadd.s32 $0xFFFFF800  }
0x6b: {  	[spmem:s2] =	stream.indirect.scatter.add.f32 [tilespmem:s19], [sflag:$0x1], $0x10, s23, s20, $0xb8;
	[tilespmem:$0x9800] =	vst v63  }
0x6c: {  	_ =	swait.ge [sflag:s16], $0x800  }
0x6d: {  	[sflag:s16] =	ssyncset.done $0x0  }
0x6e: {  	[sflag:s16] =	ssyncadd.s32 $0xFFFFF800  }
0x6f: {  	[spmem:s2] =	stream.indirect.scatter.add.f32 [tilespmem:s19], [sflag:$0x1], $0x10, s24, s20, $0xb8;
	[tilespmem:$0x9800] =	vst v63  }
0x70: {  	_ =	swait.ge [sflag:s16], $0x800  }
0x71: {  	[sflag:s16] =	ssyncset.done $0x0  }
0x72: {  	[sflag:s16] =	ssyncadd.s32 $0xFFFFF800  }
0x73: {  	[spmem:s2] =	stream.indirect.scatter.add.f32 [tilespmem:s19], [sflag:$0x1], $0x10, s25, s20, $0xb8;
	[tilespmem:$0x9800] =	vst v63  }
0x74: {  	_ =	swait.ge [sflag:s16], $0x800  }
0x75: {  	[sflag:s16] =	ssyncset.done $0x0  }
0x76: {  	[sflag:s16] =	ssyncadd.s32 $0xFFFFF800  }
0x77: {  	s28 =	sshrl.u32 @p0 s8, $0x3;
	[bflag:$0x0] =	sbarrier.arrive $0xFFFF  }
0x78: {  	[hbm:s22], [sflag:s9] =	dma.local @p0 [spmem:s28], $0xA00  }
0x79: {  	s28 =	simm.s32 @p0 $0x1  }
0x7a: {  	_ =	swait.ge @p0 [sflag:s28], $0xA00  }
0x7b: {  	[sflag:s28] =	ssyncset.done @p0 $0x0  }
0x7c: {  	[sflag:s28] =	ssyncadd.s32 @p0 $0xFFFFF600;
	s28 =	sshrl.u32 @!p0 s8, $0x3  }
0x7d: {  	[hbm:s12], [sflag:s9] =	dma.local @!p0 [spmem:s28], $0xA00  }
0x7e: {  	s28 =	simm.s32 @!p0 $0x1  }
0x7f: {  	s26 =	sadd.s32 $0x1, s26;
	_ =	swait.ge @!p0 [sflag:s28], $0xA00  }
0x80: {  	p1 =	sne.s32 s26, s14;
	[sflag:s28] =	ssyncset.done @!p0 $0x0  }
.Ltmp1:
0x81: {  	[sflag:s28] =	ssyncadd.s32 @!p0 $0xFFFFF600;
	(pc) =	sbr.rel @p1 .LBB2_1-.Ltmp1, $4  }
0x82: {  	[hbm:s13], [sflag:s9] =	dma.local [spmem:s17], $0x200  }
0x83: {  	_ =	swait.ge [sflag:s16], $0x200  }
0x84: {  	[sflag:s16] =	ssyncset.done $0x0  }
0x85: {  	[sflag:s16] =	ssyncadd.s32 $0xFFFFFE00  }
0x86: {  	_ =	sfence.sel $0x180000  }
0x87: {  	[bflag:$0x0] =	sbarrier.arrive $0xFFFF  }
0x88: {  	_ =	strace $0x9000004A  }
0x89: {  	s0 =	stileid.u32;
	[bflag:$0x2] =	sbarrier.arrive $0xFFFF  }
0x8a: {  	p0 =	sne.s32 s0, $0x0;
	s0 =	rddreg [dreg:$0x4]  }
0x8b: {  	s0 =	sadd.s32 @!p0 $0x100000, s0  }
0x8c: {  	[sflag:s0] =	ssyncadd.tile.s32 @!p0 $0x1;
	_ =	shalt  }
.Lfunc_end2:
_tile_overlayer_lowered:
.L_overlay_start_2:
0x8d: {  	(tag) =	ssettag $0x2  }
0x8e: {  	s0 =	rddreg [dreg:$0x0];
	s2 =	stileid.u32  }
0x8f: {  	s1 =	rddreg [dreg:$0x1];
	p0 =	sne.s32 s2, $0x0  }
0x90: {  	s3 =	rddreg [dreg:$0x2];
	[bflag:$0x3] =	sbarrier.arrive $0xFFFF;
	s2 =	simm.s32 @!p0 $0x1C01  }
0x91: {  	[timem:s3], [sflag:s2] =	dma.local @!p0 [hbm:s0], s1  }
0x92: {  	s0 =	simm.s32 @!p0 $0x1  }
0x93: {  	_ =	swait.ge @!p0 [sflag:s0], s1  }
0x94: {  	s1 =	ssub.s32 @!p0 $0x0, s1;
	[sflag:s0] =	ssyncset.done @!p0 $0x0  }
0x95: {  	[sflag:s0] =	ssyncadd.s32 @!p0 s1  }
0x96: {  	[bflag:$0x3] =	sbarrier.arrive $0xFFFF  }
0x97: {  	_ =	shalt  }

</sc_bundles>
